<compile_context>
chip_gen: v7x
topology: tpu7x:2x2x1
jax: 0.10.2.dev20260603
libtpu: 0.0.44.dev20260713+nightly
codegen_flags: <defaults>
</compile_context>

<pallas_src>
import functools

import jax
import jax.numpy as jnp
from jax import lax
from jax.experimental import pallas as pl
from jax.experimental.pallas import tpu as pltpu
from jax.experimental.pallas import tpu_sc as plsc

VOCAB = 64
HID = 8
BATCH = 32
SEQ = 8192
NTOK = BATCH * SEQ
NW = 32
TOK_PER_W = NTOK // NW
CHUNK = 2048
NCHUNK = TOK_PER_W // CHUNK
NGRP = CHUNK // 16



def _sc_body(ids_hbm, w_hbm, hidden_hbm,
             ids0, ids1, hid0, hid1, tmp_v, tmp_v2, w_v,
             sem_i0, sem_i1, sem_o0, sem_o1):
    wid = lax.axis_index("s") * 2 + lax.axis_index("c")
    iota = lax.iota(jnp.int32, 16)
    lane_hi = jnp.right_shift(iota, 3)
    kpat = lax.bitwise_and(iota, 7)
    ids_b = (ids0, ids1)
    hid_b = (hid0, hid1)
    sem_i = (sem_i0, sem_i1)
    sem_o = (sem_o0, sem_o1)

    def tok0(c):
        return wid * TOK_PER_W + c * CHUNK

    pltpu.sync_copy(w_hbm, w_v)

    pltpu.async_copy(ids_hbm.at[pl.ds(tok0(0), CHUNK)], ids0, sem_i0)

    def do_chunk(c, b):
        nb = 1 - b
        pltpu.make_async_copy(
            ids_hbm.at[pl.ds(tok0(c), CHUNK)], ids_b[b], sem_i[b]).wait()

        @pl.when(c >= 2)
        def _():
            pltpu.make_async_copy(
                hid_b[b],
                hidden_hbm.at[pl.ds(tok0(c - 2) * HID, CHUNK * HID)],
                sem_o[b]).wait()

        @pl.when(c + 1 < NCHUNK)
        def _():
            pltpu.async_copy(ids_hbm.at[pl.ds(tok0(c + 1), CHUNK)],
                             ids_b[nb], sem_i[nb])

        def grp(g2, carry):
            ga = 2 * g2
            gb = ga + 1
            tmp_v[...] = ids_b[b][pl.ds(ga * 16, 16)] * HID
            tmp_v2[...] = ids_b[b][pl.ds(gb * 16, 16)] * HID
            for q in range(8):
                idva = plsc.load_gather(tmp_v, [lane_hi + 2 * q])
                idvb = plsc.load_gather(tmp_v2, [lane_hi + 2 * q])
                hva = plsc.load_gather(w_v, [idva + kpat])
                hvb = plsc.load_gather(w_v, [idvb + kpat])
                hid_b[b][pl.ds(ga * 128 + q * 16, 16)] = hva
                hid_b[b][pl.ds(gb * 128 + q * 16, 16)] = hvb
            return carry

        lax.fori_loop(0, NGRP // 2, grp, None)

        pltpu.async_copy(
            hid_b[b], hidden_hbm.at[pl.ds(tok0(c) * HID, CHUNK * HID)],
            sem_o[b])

    def loop_body(jj, carry):
        do_chunk(2 * jj, 0)
        do_chunk(2 * jj + 1, 1)
        return carry

    lax.fori_loop(0, NCHUNK // 2, loop_body, None)

    for c in (NCHUNK - 2, NCHUNK - 1):
        b = c % 2
        pltpu.make_async_copy(
            hid_b[b], hidden_hbm.at[pl.ds(tok0(c) * HID, CHUNK * HID)],
            sem_o[b]).wait()


@functools.partial(
    pl.kernel,
    out_type=[
        jax.ShapeDtypeStruct((NTOK * HID,), jnp.float32),
    ],
    mesh=plsc.VectorSubcoreMesh(core_axis_name="c", subcore_axis_name="s"),
    compiler_params=pltpu.CompilerParams(needs_layout_passes=False),
    scratch_types=[
        pltpu.VMEM((CHUNK,), jnp.int32),
        pltpu.VMEM((CHUNK,), jnp.int32),
        pltpu.VMEM((CHUNK * HID,), jnp.float32),
        pltpu.VMEM((CHUNK * HID,), jnp.float32),
        pltpu.VMEM((16,), jnp.int32),
        pltpu.VMEM((16,), jnp.int32),
        pltpu.VMEM((VOCAB * HID,), jnp.float32),
        pltpu.SemaphoreType.DMA,
        pltpu.SemaphoreType.DMA,
        pltpu.SemaphoreType.DMA,
        pltpu.SemaphoreType.DMA,
    ],
)
def _gather_sc(*refs):
    _sc_body(*refs)



TC_BS = 8192


def _tc_body(ids_ref, w0_ref, logits_ref):
    ids = ids_ref[...]
    w0 = w0_ref[...]
    t = jnp.maximum(jnp.round(w0 * 10.0), 0.0)
    idx_tab = t.astype(jnp.int32) % VOCAB
    val_tab = idx_tab.astype(jnp.float32) / 10.0
    iotam = lax.broadcasted_iota(jnp.int32, (VOCAB, VOCAB), 0)
    m = jnp.where(iotam == idx_tab[None, :], val_tab[None, :], 0.0)
    iotav = lax.broadcasted_iota(jnp.int32, (VOCAB, TC_BS), 0)
    onehot = jnp.where(iotav == ids[None, :], 1.0, 0.0)
    logits_ref[...] = jax.lax.dot(m, onehot,
                                  precision=jax.lax.Precision.HIGHEST,
                                  preferred_element_type=jnp.float32)


_tc_expand = pl.pallas_call(
    _tc_body,
    grid=(BATCH,),
    in_specs=[
        pl.BlockSpec((TC_BS,), lambda b: (b,)),
        pl.BlockSpec((VOCAB,), lambda b: (0,)),
    ],
    out_specs=pl.BlockSpec((None, VOCAB, TC_BS), lambda b: (b, 0, 0)),
    out_shape=jax.ShapeDtypeStruct((BATCH, VOCAB, SEQ), jnp.float32),
    compiler_params=pltpu.CompilerParams(
        dimension_semantics=("parallel",)),
)


def kernel(input_ids, embedding_weight):
    ids = input_ids.astype(jnp.int32).reshape(NTOK)
    w = embedding_weight.astype(jnp.float32)
    (hidden_flat,) = _gather_sc(ids, w.reshape(VOCAB * HID))
    logits_t = _tc_expand(ids, w[:, 0])
    return (logits_t.transpose(0, 2, 1),
            hidden_flat.reshape(BATCH, SEQ, HID))

# --- scband reference (transcript-rebuilt; emitter-appended) ---
"""Pipeline reference for scband-fake-model-12257836663262 (READ-ONLY COPY).

The authoritative reference and input builder live on the scoring server;
editing this copy changes nothing except your own understanding.
"""

import jax, jax.numpy as jnp
import numpy as np

VOCAB = 64
HIDDEN = 8
BATCH = 32
SEQ = 8192


def setup_inputs(seed: int = 0) -> dict:
    key = jax.random.key(seed)
    input_ids = jax.random.randint(key, (BATCH, SEQ), 0, VOCAB)
    # embedding weight exactly as set in the torch module's __init__
    embedding_weight = (jnp.arange(VOCAB * HIDDEN, dtype=jnp.float32).reshape(VOCAB, HIDDEN) / 100.0)
    return {"input_ids": input_ids, "embedding_weight": embedding_weight}


def reference(input_ids, embedding_weight):
    # hidden = self.embedding(input_ids).float()
    hidden = jnp.take(embedding_weight, input_ids, axis=0).astype(jnp.float32)
    B, S, _ = hidden.shape
    # token_basis = (hidden[..., 0] * 10).round().long().clamp(min=0)
    token_basis = jnp.round(hidden[..., 0] * 10.0).astype(jnp.int32)
    token_basis = jnp.clip(token_basis, 0, None)
    idx = token_basis % VOCAB
    vals = idx.astype(jnp.float32) / 10.0
    # logits.scatter_(-1, idx.unsqueeze(-1), vals.unsqueeze(-1))  -> scatter-overwrite
    logits = jnp.zeros((B, S, VOCAB), dtype=jnp.float32)
    b = jnp.arange(B)[:, None]
    s = jnp.arange(S)[None, :]
    logits = logits.at[b, s, idx].set(vals)
    # model returns SimpleNamespace(logits=..., hidden_states=[hidden, hidden], attentions=None)
    return logits, hidden

if __name__ == "__main__":
    import jax
    _d = setup_inputs()
    print(jax.jit(kernel)(*tuple(_d.values())))

</pallas_src>

<mosaic_0001>
#map = affine_map<(d0, d1) -> (0)>
module attributes {stable_mosaic.version = 14 : i64} {
  func.func @_gather_sc(%arg0: i32, %arg1: i32, %arg2: memref<262144xi32, #tpu.memory_space<hbm>>, %arg3: memref<512xf32, #tpu.memory_space<hbm>>, %arg4: memref<2097152xf32, #tpu.memory_space<hbm>>, %arg5: memref<2048xi32, #tpu.memory_space<vmem>>, %arg6: memref<2048xi32, #tpu.memory_space<vmem>>, %arg7: memref<16384xf32, #tpu.memory_space<vmem>>, %arg8: memref<16384xf32, #tpu.memory_space<vmem>>, %arg9: memref<16xi32, #tpu.memory_space<vmem>>, %arg10: memref<16xi32, #tpu.memory_space<vmem>>, %arg11: memref<512xf32, #tpu.memory_space<vmem>>, %arg12: memref<!tpu.dma_semaphore, #tpu.memory_space<semaphore_mem>>, %arg13: memref<!tpu.dma_semaphore, #tpu.memory_space<semaphore_mem>>, %arg14: memref<!tpu.dma_semaphore, #tpu.memory_space<semaphore_mem>>, %arg15: memref<!tpu.dma_semaphore, #tpu.memory_space<semaphore_mem>>) attributes {dimension_semantics = [#tpu.dimension_semantics<core_parallel>, #tpu.dimension_semantics<subcore_parallel>], iteration_bounds = array<i64: 2, 16>, scalar_prefetch = 0 : i64, scratch_operands = 11 : i64, tpu.core_type = #tpu.core_type<sc_vector_subcore>, window_params = [{transform_indices = #map}, {transform_indices = #map}, {transform_indices = #map}]} {
    %mul3A = arith.constant 2 : i32
    %mul3A_0 = arith.muli %arg1, %mul3A : i32
    %add3A = arith.addi %mul3A_0, %arg0 : i32
    %iota3A = tpu.iota {dimensions = array<i32: 0>} : vector<16xi32>
    %shift_right_arithmetic3A = arith.constant 3 : i32
    %shift_right_arithmetic3A_1 = vector.broadcast %shift_right_arithmetic3A : i32 to vector<16xi32>
    %shift_right_arithmetic3A_2 = arith.shrsi %iota3A, %shift_right_arithmetic3A_1 : vector<16xi32>
    %and3A = arith.constant 7 : i32
    %and3A_3 = vector.broadcast %and3A : i32 to vector<16xi32>
    %and3A_4 = arith.andi %iota3A, %and3A_3 : vector<16xi32>
    "tpu.region"() ({
      %run_scoped3A = tpu.sem_alloc : memref<!tpu.dma_semaphore, #tpu.memory_space<semaphore_mem>>
      tpu.enqueue_dma source(%arg3 : memref<512xf32, #tpu.memory_space<hbm>>) target(%arg11 : memref<512xf32, #tpu.memory_space<vmem>>) target_semaphore(%run_scoped3A : memref<!tpu.dma_semaphore, #tpu.memory_space<semaphore_mem>>)
      tpu.wait_dma2 semaphore(%run_scoped3A : memref<!tpu.dma_semaphore, #tpu.memory_space<semaphore_mem>>) src(%arg3 : memref<512xf32, #tpu.memory_space<hbm>>) dst(%arg11 : memref<512xf32, #tpu.memory_space<vmem>>)
      tpu.yield
    }) : () -> ()
    %mul3A_5 = arith.constant 8192 : i32
    %mul3A_6 = arith.muli %add3A, %mul3A_5 : i32
    %add3A_7 = arith.constant 0 : i32
    %add3A_8 = arith.addi %mul3A_6, %add3A_7 : i32
    %dma_start3A = tpu.memref_slice %arg2[%add3A_8] : memref<262144xi32, #tpu.memory_space<hbm>> -> memref<2048xi32, #tpu.memory_space<hbm>>
    %dma_start3A_9 = tpu.memref_slice %arg2[%add3A_8] : memref<262144xi32, #tpu.memory_space<hbm>> -> memref<2048xi32, #tpu.memory_space<hbm>>
    tpu.enqueue_dma source(%dma_start3A_9 : memref<2048xi32, #tpu.memory_space<hbm>>) target(%arg5 : memref<2048xi32, #tpu.memory_space<vmem>>) target_semaphore(%arg12 : memref<!tpu.dma_semaphore, #tpu.memory_space<semaphore_mem>>)
    %scan3A = arith.constant 0 : i32
    %scan3A_10 = arith.constant 2 : i32
    %scan3A_11 = arith.addi %scan3A, %scan3A_10 : i32
    %scan3A_12 = arith.constant 1 : i32
    scf.for %scan3A_29 = %scan3A to %scan3A_11 step %scan3A_12  : i32 {
      %mul3A_30 = arith.constant 2 : i32
      %mul3A_31 = arith.muli %mul3A_30, %scan3A_29 : i32
      %mul3A_32 = arith.constant 8192 : i32
      %mul3A_33 = arith.muli %add3A, %mul3A_32 : i32
      %mul3A_34 = arith.constant 2048 : i32
      %mul3A_35 = arith.muli %mul3A_31, %mul3A_34 : i32
      %add3A_36 = arith.addi %mul3A_33, %mul3A_35 : i32
      %dma_wait3A_37 = tpu.memref_slice %arg2[%add3A_36] : memref<262144xi32, #tpu.memory_space<hbm>> -> memref<2048xi32, #tpu.memory_space<hbm>>
      %dma_wait3A_38 = tpu.memref_slice %arg2[%add3A_36] : memref<262144xi32, #tpu.memory_space<hbm>> -> memref<2048xi32, #tpu.memory_space<hbm>>
      tpu.wait_dma2 semaphore(%arg12 : memref<!tpu.dma_semaphore, #tpu.memory_space<semaphore_mem>>) src(%dma_wait3A_38 : memref<2048xi32, #tpu.memory_space<hbm>>) dst(%arg5 : memref<2048xi32, #tpu.memory_space<vmem>>)
      %ge3A = arith.constant 2 : i32
      %ge3A_39 = arith.cmpi sge, %mul3A_31, %ge3A : i32
      %convert_element_type3A = arith.extui %ge3A_39 : i1 to i32
      %cond3A = arith.constant 0 : i32
      %cond3A_40 = arith.cmpi ne, %convert_element_type3A, %cond3A : i32
      scf.if %cond3A_40 {
        %sub3A = arith.constant 2 : i32
        %sub3A_98 = arith.subi %mul3A_31, %sub3A : i32
        %mul3A_99 = arith.constant 8192 : i32
        %mul3A_100 = arith.muli %add3A, %mul3A_99 : i32
        %mul3A_101 = arith.constant 2048 : i32
        %mul3A_102 = arith.muli %sub3A_98, %mul3A_101 : i32
        %add3A_103 = arith.addi %mul3A_100, %mul3A_102 : i32
        %mul3A_104 = arith.constant 8 : i32
        %mul3A_105 = arith.muli %add3A_103, %mul3A_104 : i32
        %dma_wait3A_106 = tpu.memref_slice %arg4[%mul3A_105] : memref<2097152xf32, #tpu.memory_space<hbm>> -> memref<16384xf32, #tpu.memory_space<hbm>>
        %dma_wait3A_107 = tpu.memref_slice %arg4[%mul3A_105] : memref<2097152xf32, #tpu.memory_space<hbm>> -> memref<16384xf32, #tpu.memory_space<hbm>>
        tpu.wait_dma2 semaphore(%arg14 : memref<!tpu.dma_semaphore, #tpu.memory_space<semaphore_mem>>) src(%arg7 : memref<16384xf32, #tpu.memory_space<vmem>>) dst(%dma_wait3A_107 : memref<16384xf32, #tpu.memory_space<hbm>>)
      } else {
      }
      %add3A_41 = arith.constant 1 : i32
      %add3A_42 = arith.addi %mul3A_31, %add3A_41 : i32
      %lt3A = arith.constant 4 : i32
      %lt3A_43 = arith.cmpi slt, %add3A_42, %lt3A : i32
      %convert_element_type3A_44 = arith.extui %lt3A_43 : i1 to i32
      %cond3A_45 = arith.constant 0 : i32
      %cond3A_46 = arith.cmpi ne, %convert_element_type3A_44, %cond3A_45 : i32
      scf.if %cond3A_46 {
        %add3A_98 = arith.constant 1 : i32
        %add3A_99 = arith.addi %mul3A_31, %add3A_98 : i32
        %mul3A_100 = arith.constant 8192 : i32
        %mul3A_101 = arith.muli %add3A, %mul3A_100 : i32
        %mul3A_102 = arith.constant 2048 : i32
        %mul3A_103 = arith.muli %add3A_99, %mul3A_102 : i32
        %add3A_104 = arith.addi %mul3A_101, %mul3A_103 : i32
        %dma_start3A_105 = tpu.memref_slice %arg2[%add3A_104] : memref<262144xi32, #tpu.memory_space<hbm>> -> memref<2048xi32, #tpu.memory_space<hbm>>
        %dma_start3A_106 = tpu.memref_slice %arg2[%add3A_104] : memref<262144xi32, #tpu.memory_space<hbm>> -> memref<2048xi32, #tpu.memory_space<hbm>>
        tpu.enqueue_dma source(%dma_start3A_106 : memref<2048xi32, #tpu.memory_space<hbm>>) target(%arg6 : memref<2048xi32, #tpu.memory_space<vmem>>) target_semaphore(%arg13 : memref<!tpu.dma_semaphore, #tpu.memory_space<semaphore_mem>>)
      } else {
      }
      %scan3A_47 = arith.constant 0 : i32
      %scan3A_48 = arith.constant 64 : i32
      %scan3A_49 = arith.addi %scan3A_47, %scan3A_48 : i32
      %scan3A_50 = arith.constant 1 : i32
      scf.for %scan3A_98 = %scan3A_47 to %scan3A_49 step %scan3A_50  : i32 {
        %mul3A_99 = arith.constant 2 : i32
        %mul3A_100 = arith.muli %mul3A_99, %scan3A_98 : i32
        %add3A_101 = arith.constant 1 : i32
        %add3A_102 = arith.addi %mul3A_100, %add3A_101 : i32
        %mul3A_103 = arith.constant 16 : i32
        %mul3A_104 = arith.muli %mul3A_100, %mul3A_103 : i32
        %get3A = arith.index_cast %mul3A_104 : i32 to index
        %get3A_105 = tpu.vector_load %arg5[%get3A] {strides = array<i32>} : memref<2048xi32, #tpu.memory_space<vmem>>, vector<16xi32>,
        %mul3A_106 = arith.constant 8 : i32
        %mul3A_107 = vector.broadcast %mul3A_106 : i32 to vector<16xi32>
        %mul3A_108 = arith.muli %get3A_105, %mul3A_107 : vector<16xi32>
        %swap3A = arith.constant 0 : index
        %swap3A_109 = tpu.vector_load %arg9[%swap3A] {strides = array<i32>} : memref<16xi32, #tpu.memory_space<vmem>>, vector<16xi32>,
        tpu.vector_store %arg9[%swap3A], %mul3A_108 {strides = array<i32>} : memref<16xi32, #tpu.memory_space<vmem>>, vector<16xi32>,
        %mul3A_110 = arith.constant 16 : i32
        %mul3A_111 = arith.muli %add3A_102, %mul3A_110 : i32
        %get3A_112 = arith.index_cast %mul3A_111 : i32 to index
        %get3A_113 = tpu.vector_load %arg5[%get3A_112] {strides = array<i32>} : memref<2048xi32, #tpu.memory_space<vmem>>, vector<16xi32>,
        %mul3A_114 = arith.constant 8 : i32
        %mul3A_115 = vector.broadcast %mul3A_114 : i32 to vector<16xi32>
        %mul3A_116 = arith.muli %get3A_113, %mul3A_115 : vector<16xi32>
        %swap3A_117 = arith.constant 0 : index
        %swap3A_118 = tpu.vector_load %arg10[%swap3A_117] {strides = array<i32>} : memref<16xi32, #tpu.memory_space<vmem>>, vector<16xi32>,
        tpu.vector_store %arg10[%swap3A_117], %mul3A_116 {strides = array<i32>} : memref<16xi32, #tpu.memory_space<vmem>>, vector<16xi32>,
        %add3A_119 = arith.constant 0 : i32
        %add3A_120 = vector.broadcast %add3A_119 : i32 to vector<16xi32>
        %add3A_121 = arith.addi %shift_right_arithmetic3A_2, %add3A_120 : vector<16xi32>
        %gather3A = tpu.vector_load_idx %arg9[%add3A_121] : memref<16xi32, #tpu.memory_space<vmem>>[vector<16xi32>], vector<16xi32>,
        %add3A_122 = arith.constant 0 : i32
        %add3A_123 = vector.broadcast %add3A_122 : i32 to vector<16xi32>
        %add3A_124 = arith.addi %shift_right_arithmetic3A_2, %add3A_123 : vector<16xi32>
        %gather3A_125 = tpu.vector_load_idx %arg10[%add3A_124] : memref<16xi32, #tpu.memory_space<vmem>>[vector<16xi32>], vector<16xi32>,
        %add3A_126 = arith.addi %gather3A, %and3A_4 : vector<16xi32>
        %gather3A_127 = tpu.vector_load_idx %arg11[%add3A_126] : memref<512xf32, #tpu.memory_space<vmem>>[vector<16xi32>], vector<16xf32>,
        %add3A_128 = arith.addi %gather3A_125, %and3A_4 : vector<16xi32>
        %gather3A_129 = tpu.vector_load_idx %arg11[%add3A_128] : memref<512xf32, #tpu.memory_space<vmem>>[vector<16xi32>], vector<16xf32>,
        %mul3A_130 = arith.constant 128 : i32
        %mul3A_131 = arith.muli %mul3A_100, %mul3A_130 : i32
        %add3A_132 = arith.constant 0 : i32
        %add3A_133 = arith.addi %mul3A_131, %add3A_132 : i32
        %swap3A_134 = arith.index_cast %add3A_133 : i32 to index
        %swap3A_135 = tpu.vector_load %arg7[%swap3A_134] {strides = array<i32>} : memref<16384xf32, #tpu.memory_space<vmem>>, vector<16xf32>,
        tpu.vector_store %arg7[%swap3A_134], %gather3A_127 {strides = array<i32>} : memref<16384xf32, #tpu.memory_space<vmem>>, vector<16xf32>,
        %mul3A_136 = arith.constant 128 : i32
        %mul3A_137 = arith.muli %add3A_102, %mul3A_136 : i32
        %add3A_138 = arith.constant 0 : i32
        %add3A_139 = arith.addi %mul3A_137, %add3A_138 : i32
        %swap3A_140 = arith.index_cast %add3A_139 : i32 to index
        %swap3A_141 = tpu.vector_load %arg7[%swap3A_140] {strides = array<i32>} : memref<16384xf32, #tpu.memory_space<vmem>>, vector<16xf32>,
        tpu.vector_store %arg7[%swap3A_140], %gather3A_129 {strides = array<i32>} : memref<16384xf32, #tpu.memory_space<vmem>>, vector<16xf32>,
        %add3A_142 = arith.constant 2 : i32
        %add3A_143 = vector.broadcast %add3A_142 : i32 to vector<16xi32>
        %add3A_144 = arith.addi %shift_right_arithmetic3A_2, %add3A_143 : vector<16xi32>
        %gather3A_145 = tpu.vector_load_idx %arg9[%add3A_144] : memref<16xi32, #tpu.memory_space<vmem>>[vector<16xi32>], vector<16xi32>,
        %add3A_146 = arith.constant 2 : i32
        %add3A_147 = vector.broadcast %add3A_146 : i32 to vector<16xi32>
        %add3A_148 = arith.addi %shift_right_arithmetic3A_2, %add3A_147 : vector<16xi32>
        %gather3A_149 = tpu.vector_load_idx %arg10[%add3A_148] : memref<16xi32, #tpu.memory_space<vmem>>[vector<16xi32>], vector<16xi32>,
        %add3A_150 = arith.addi %gather3A_145, %and3A_4 : vector<16xi32>
        %gather3A_151 = tpu.vector_load_idx %arg11[%add3A_150] : memref<512xf32, #tpu.memory_space<vmem>>[vector<16xi32>], vector<16xf32>,
        %add3A_152 = arith.addi %gather3A_149, %and3A_4 : vector<16xi32>
        %gather3A_153 = tpu.vector_load_idx %arg11[%add3A_152] : memref<512xf32, #tpu.memory_space<vmem>>[vector<16xi32>], vector<16xf32>,
        %mul3A_154 = arith.constant 128 : i32
        %mul3A_155 = arith.muli %mul3A_100, %mul3A_154 : i32
        %add3A_156 = arith.constant 16 : i32
        %add3A_157 = arith.addi %mul3A_155, %add3A_156 : i32
        %swap3A_158 = arith.index_cast %add3A_157 : i32 to index
        %swap3A_159 = tpu.vector_load %arg7[%swap3A_158] {strides = array<i32>} : memref<16384xf32, #tpu.memory_space<vmem>>, vector<16xf32>,
        tpu.vector_store %arg7[%swap3A_158], %gather3A_151 {strides = array<i32>} : memref<16384xf32, #tpu.memory_space<vmem>>, vector<16xf32>,
        %mul3A_160 = arith.constant 128 : i32
        %mul3A_161 = arith.muli %add3A_102, %mul3A_160 : i32
        %add3A_162 = arith.constant 16 : i32
        %add3A_163 = arith.addi %mul3A_161, %add3A_162 : i32
        %swap3A_164 = arith.index_cast %add3A_163 : i32 to index
        %swap3A_165 = tpu.vector_load %arg7[%swap3A_164] {strides = array<i32>} : memref<16384xf32, #tpu.memory_space<vmem>>, vector<16xf32>,
        tpu.vector_store %arg7[%swap3A_164], %gather3A_153 {strides = array<i32>} : memref<16384xf32, #tpu.memory_space<vmem>>, vector<16xf32>,
        %add3A_166 = arith.constant 4 : i32
        %add3A_167 = vector.broadcast %add3A_166 : i32 to vector<16xi32>
        %add3A_168 = arith.addi %shift_right_arithmetic3A_2, %add3A_167 : vector<16xi32>
        %gather3A_169 = tpu.vector_load_idx %arg9[%add3A_168] : memref<16xi32, #tpu.memory_space<vmem>>[vector<16xi32>], vector<16xi32>,
        %add3A_170 = arith.constant 4 : i32
        %add3A_171 = vector.broadcast %add3A_170 : i32 to vector<16xi32>
        %add3A_172 = arith.addi %shift_right_arithmetic3A_2, %add3A_171 : vector<16xi32>
        %gather3A_173 = tpu.vector_load_idx %arg10[%add3A_172] : memref<16xi32, #tpu.memory_space<vmem>>[vector<16xi32>], vector<16xi32>,
        %add3A_174 = arith.addi %gather3A_169, %and3A_4 : vector<16xi32>
        %gather3A_175 = tpu.vector_load_idx %arg11[%add3A_174] : memref<512xf32, #tpu.memory_space<vmem>>[vector<16xi32>], vector<16xf32>,
        %add3A_176 = arith.addi %gather3A_173, %and3A_4 : vector<16xi32>
        %gather3A_177 = tpu.vector_load_idx %arg11[%add3A_176] : memref<512xf32, #tpu.memory_space<vmem>>[vector<16xi32>], vector<16xf32>,
        %mul3A_178 = arith.constant 128 : i32
        %mul3A_179 = arith.muli %mul3A_100, %mul3A_178 : i32
        %add3A_180 = arith.constant 32 : i32
        %add3A_181 = arith.addi %mul3A_179, %add3A_180 : i32
        %swap3A_182 = arith.index_cast %add3A_181 : i32 to index
        %swap3A_183 = tpu.vector_load %arg7[%swap3A_182] {strides = array<i32>} : memref<16384xf32, #tpu.memory_space<vmem>>, vector<16xf32>,
        tpu.vector_store %arg7[%swap3A_182], %gather3A_175 {strides = array<i32>} : memref<16384xf32, #tpu.memory_space<vmem>>, vector<16xf32>,
        %mul3A_184 = arith.constant 128 : i32
        %mul3A_185 = arith.muli %add3A_102, %mul3A_184 : i32
        %add3A_186 = arith.constant 32 : i32
        %add3A_187 = arith.addi %mul3A_185, %add3A_186 : i32
        %swap3A_188 = arith.index_cast %add3A_187 : i32 to index
        %swap3A_189 = tpu.vector_load %arg7[%swap3A_188] {strides = array<i32>} : memref<16384xf32, #tpu.memory_space<vmem>>, vector<16xf32>,
        tpu.vector_store %arg7[%swap3A_188], %gather3A_177 {strides = array<i32>} : memref<16384xf32, #tpu.memory_space<vmem>>, vector<16xf32>,
        %add3A_190 = arith.constant 6 : i32
        %add3A_191 = vector.broadcast %add3A_190 : i32 to vector<16xi32>
        %add3A_192 = arith.addi %shift_right_arithmetic3A_2, %add3A_191 : vector<16xi32>
        %gather3A_193 = tpu.vector_load_idx %arg9[%add3A_192] : memref<16xi32, #tpu.memory_space<vmem>>[vector<16xi32>], vector<16xi32>,
        %add3A_194 = arith.constant 6 : i32
        %add3A_195 = vector.broadcast %add3A_194 : i32 to vector<16xi32>
        %add3A_196 = arith.addi %shift_right_arithmetic3A_2, %add3A_195 : vector<16xi32>
        %gather3A_197 = tpu.vector_load_idx %arg10[%add3A_196] : memref<16xi32, #tpu.memory_space<vmem>>[vector<16xi32>], vector<16xi32>,
        %add3A_198 = arith.addi %gather3A_193, %and3A_4 : vector<16xi32>
        %gather3A_199 = tpu.vector_load_idx %arg11[%add3A_198] : memref<512xf32, #tpu.memory_space<vmem>>[vector<16xi32>], vector<16xf32>,
        %add3A_200 = arith.addi %gather3A_197, %and3A_4 : vector<16xi32>
        %gather3A_201 = tpu.vector_load_idx %arg11[%add3A_200] : memref<512xf32, #tpu.memory_space<vmem>>[vector<16xi32>], vector<16xf32>,
        %mul3A_202 = arith.constant 128 : i32
        %mul3A_203 = arith.muli %mul3A_100, %mul3A_202 : i32
        %add3A_204 = arith.constant 48 : i32
        %add3A_205 = arith.addi %mul3A_203, %add3A_204 : i32
        %swap3A_206 = arith.index_cast %add3A_205 : i32 to index
        %swap3A_207 = tpu.vector_load %arg7[%swap3A_206] {strides = array<i32>} : memref<16384xf32, #tpu.memory_space<vmem>>, vector<16xf32>,
        tpu.vector_store %arg7[%swap3A_206], %gather3A_199 {strides = array<i32>} : memref<16384xf32, #tpu.memory_space<vmem>>, vector<16xf32>,
        %mul3A_208 = arith.constant 128 : i32
        %mul3A_209 = arith.muli %add3A_102, %mul3A_208 : i32
        %add3A_210 = arith.constant 48 : i32
        %add3A_211 = arith.addi %mul3A_209, %add3A_210 : i32
        %swap3A_212 = arith.index_cast %add3A_211 : i32 to index
        %swap3A_213 = tpu.vector_load %arg7[%swap3A_212] {strides = array<i32>} : memref<16384xf32, #tpu.memory_space<vmem>>, vector<16xf32>,
        tpu.vector_store %arg7[%swap3A_212], %gather3A_201 {strides = array<i32>} : memref<16384xf32, #tpu.memory_space<vmem>>, vector<16xf32>,
        %add3A_214 = arith.constant 8 : i32
        %add3A_215 = vector.broadcast %add3A_214 : i32 to vector<16xi32>
        %add3A_216 = arith.addi %shift_right_arithmetic3A_2, %add3A_215 : vector<16xi32>
        %gather3A_217 = tpu.vector_load_idx %arg9[%add3A_216] : memref<16xi32, #tpu.memory_space<vmem>>[vector<16xi32>], vector<16xi32>,
        %add3A_218 = arith.constant 8 : i32
        %add3A_219 = vector.broadcast %add3A_218 : i32 to vector<16xi32>
        %add3A_220 = arith.addi %shift_right_arithmetic3A_2, %add3A_219 : vector<16xi32>
        %gather3A_221 = tpu.vector_load_idx %arg10[%add3A_220] : memref<16xi32, #tpu.memory_space<vmem>>[vector<16xi32>], vector<16xi32>,
        %add3A_222 = arith.addi %gather3A_217, %and3A_4 : vector<16xi32>
        %gather3A_223 = tpu.vector_load_idx %arg11[%add3A_222] : memref<512xf32, #tpu.memory_space<vmem>>[vector<16xi32>], vector<16xf32>,
        %add3A_224 = arith.addi %gather3A_221, %and3A_4 : vector<16xi32>
        %gather3A_225 = tpu.vector_load_idx %arg11[%add3A_224] : memref<512xf32, #tpu.memory_space<vmem>>[vector<16xi32>], vector<16xf32>,
        %mul3A_226 = arith.constant 128 : i32
        %mul3A_227 = arith.muli %mul3A_100, %mul3A_226 : i32
        %add3A_228 = arith.constant 64 : i32
        %add3A_229 = arith.addi %mul3A_227, %add3A_228 : i32
        %swap3A_230 = arith.index_cast %add3A_229 : i32 to index
        %swap3A_231 = tpu.vector_load %arg7[%swap3A_230] {strides = array<i32>} : memref<16384xf32, #tpu.memory_space<vmem>>, vector<16xf32>,
        tpu.vector_store %arg7[%swap3A_230], %gather3A_223 {strides = array<i32>} : memref<16384xf32, #tpu.memory_space<vmem>>, vector<16xf32>,
        %mul3A_232 = arith.constant 128 : i32
        %mul3A_233 = arith.muli %add3A_102, %mul3A_232 : i32
        %add3A_234 = arith.constant 64 : i32
        %add3A_235 = arith.addi %mul3A_233, %add3A_234 : i32
        %swap3A_236 = arith.index_cast %add3A_235 : i32 to index
        %swap3A_237 = tpu.vector_load %arg7[%swap3A_236] {strides = array<i32>} : memref<16384xf32, #tpu.memory_space<vmem>>, vector<16xf32>,
        tpu.vector_store %arg7[%swap3A_236], %gather3A_225 {strides = array<i32>} : memref<16384xf32, #tpu.memory_space<vmem>>, vector<16xf32>,
        %add3A_238 = arith.constant 10 : i32
        %add3A_239 = vector.broadcast %add3A_238 : i32 to vector<16xi32>
        %add3A_240 = arith.addi %shift_right_arithmetic3A_2, %add3A_239 : vector<16xi32>
        %gather3A_241 = tpu.vector_load_idx %arg9[%add3A_240] : memref<16xi32, #tpu.memory_space<vmem>>[vector<16xi32>], vector<16xi32>,
        %add3A_242 = arith.constant 10 : i32
        %add3A_243 = vector.broadcast %add3A_242 : i32 to vector<16xi32>
        %add3A_244 = arith.addi %shift_right_arithmetic3A_2, %add3A_243 : vector<16xi32>
        %gather3A_245 = tpu.vector_load_idx %arg10[%add3A_244] : memref<16xi32, #tpu.memory_space<vmem>>[vector<16xi32>], vector<16xi32>,
        %add3A_246 = arith.addi %gather3A_241, %and3A_4 : vector<16xi32>
        %gather3A_247 = tpu.vector_load_idx %arg11[%add3A_246] : memref<512xf32, #tpu.memory_space<vmem>>[vector<16xi32>], vector<16xf32>,
        %add3A_248 = arith.addi %gather3A_245, %and3A_4 : vector<16xi32>
        %gather3A_249 = tpu.vector_load_idx %arg11[%add3A_248] : memref<512xf32, #tpu.memory_space<vmem>>[vector<16xi32>], vector<16xf32>,
        %mul3A_250 = arith.constant 128 : i32
        %mul3A_251 = arith.muli %mul3A_100, %mul3A_250 : i32
        %add3A_252 = arith.constant 80 : i32
        %add3A_253 = arith.addi %mul3A_251, %add3A_252 : i32
        %swap3A_254 = arith.index_cast %add3A_253 : i32 to index
        %swap3A_255 = tpu.vector_load %arg7[%swap3A_254] {strides = array<i32>} : memref<16384xf32, #tpu.memory_space<vmem>>, vector<16xf32>,
        tpu.vector_store %arg7[%swap3A_254], %gather3A_247 {strides = array<i32>} : memref<16384xf32, #tpu.memory_space<vmem>>, vector<16xf32>,
        %mul3A_256 = arith.constant 128 : i32
        %mul3A_257 = arith.muli %add3A_102, %mul3A_256 : i32
        %add3A_258 = arith.constant 80 : i32
        %add3A_259 = arith.addi %mul3A_257, %add3A_258 : i32
        %swap3A_260 = arith.index_cast %add3A_259 : i32 to index
        %swap3A_261 = tpu.vector_load %arg7[%swap3A_260] {strides = array<i32>} : memref<16384xf32, #tpu.memory_space<vmem>>, vector<16xf32>,
        tpu.vector_store %arg7[%swap3A_260], %gather3A_249 {strides = array<i32>} : memref<16384xf32, #tpu.memory_space<vmem>>, vector<16xf32>,
        %add3A_262 = arith.constant 12 : i32
        %add3A_263 = vector.broadcast %add3A_262 : i32 to vector<16xi32>
        %add3A_264 = arith.addi %shift_right_arithmetic3A_2, %add3A_263 : vector<16xi32>
        %gather3A_265 = tpu.vector_load_idx %arg9[%add3A_264] : memref<16xi32, #tpu.memory_space<vmem>>[vector<16xi32>], vector<16xi32>,
        %add3A_266 = arith.constant 12 : i32
        %add3A_267 = vector.broadcast %add3A_266 : i32 to vector<16xi32>
        %add3A_268 = arith.addi %shift_right_arithmetic3A_2, %add3A_267 : vector<16xi32>
        %gather3A_269 = tpu.vector_load_idx %arg10[%add3A_268] : memref<16xi32, #tpu.memory_space<vmem>>[vector<16xi32>], vector<16xi32>,
        %add3A_270 = arith.addi %gather3A_265, %and3A_4 : vector<16xi32>
        %gather3A_271 = tpu.vector_load_idx %arg11[%add3A_270] : memref<512xf32, #tpu.memory_space<vmem>>[vector<16xi32>], vector<16xf32>,
        %add3A_272 = arith.addi %gather3A_269, %and3A_4 : vector<16xi32>
        %gather3A_273 = tpu.vector_load_idx %arg11[%add3A_272] : memref<512xf32, #tpu.memory_space<vmem>>[vector<16xi32>], vector<16xf32>,
        %mul3A_274 = arith.constant 128 : i32
        %mul3A_275 = arith.muli %mul3A_100, %mul3A_274 : i32
        %add3A_276 = arith.constant 96 : i32
        %add3A_277 = arith.addi %mul3A_275, %add3A_276 : i32
        %swap3A_278 = arith.index_cast %add3A_277 : i32 to index
        %swap3A_279 = tpu.vector_load %arg7[%swap3A_278] {strides = array<i32>} : memref<16384xf32, #tpu.memory_space<vmem>>, vector<16xf32>,
        tpu.vector_store %arg7[%swap3A_278], %gather3A_271 {strides = array<i32>} : memref<16384xf32, #tpu.memory_space<vmem>>, vector<16xf32>,
        %mul3A_280 = arith.constant 128 : i32
        %mul3A_281 = arith.muli %add3A_102, %mul3A_280 : i32
        %add3A_282 = arith.constant 96 : i32
        %add3A_283 = arith.addi %mul3A_281, %add3A_282 : i32
        %swap3A_284 = arith.index_cast %add3A_283 : i32 to index
        %swap3A_285 = tpu.vector_load %arg7[%swap3A_284] {strides = array<i32>} : memref<16384xf32, #tpu.memory_space<vmem>>, vector<16xf32>,
        tpu.vector_store %arg7[%swap3A_284], %gather3A_273 {strides = array<i32>} : memref<16384xf32, #tpu.memory_space<vmem>>, vector<16xf32>,
        %add3A_286 = arith.constant 14 : i32
        %add3A_287 = vector.broadcast %add3A_286 : i32 to vector<16xi32>
        %add3A_288 = arith.addi %shift_right_arithmetic3A_2, %add3A_287 : vector<16xi32>
        %gather3A_289 = tpu.vector_load_idx %arg9[%add3A_288] : memref<16xi32, #tpu.memory_space<vmem>>[vector<16xi32>], vector<16xi32>,
        %add3A_290 = arith.constant 14 : i32
        %add3A_291 = vector.broadcast %add3A_290 : i32 to vector<16xi32>
        %add3A_292 = arith.addi %shift_right_arithmetic3A_2, %add3A_291 : vector<16xi32>
        %gather3A_293 = tpu.vector_load_idx %arg10[%add3A_292] : memref<16xi32, #tpu.memory_space<vmem>>[vector<16xi32>], vector<16xi32>,
        %add3A_294 = arith.addi %gather3A_289, %and3A_4 : vector<16xi32>
        %gather3A_295 = tpu.vector_load_idx %arg11[%add3A_294] : memref<512xf32, #tpu.memory_space<vmem>>[vector<16xi32>], vector<16xf32>,
        %add3A_296 = arith.addi %gather3A_293, %and3A_4 : vector<16xi32>
        %gather3A_297 = tpu.vector_load_idx %arg11[%add3A_296] : memref<512xf32, #tpu.memory_space<vmem>>[vector<16xi32>], vector<16xf32>,
        %mul3A_298 = arith.constant 128 : i32
        %mul3A_299 = arith.muli %mul3A_100, %mul3A_298 : i32
        %add3A_300 = arith.constant 112 : i32
        %add3A_301 = arith.addi %mul3A_299, %add3A_300 : i32
        %swap3A_302 = arith.index_cast %add3A_301 : i32 to index
        %swap3A_303 = tpu.vector_load %arg7[%swap3A_302] {strides = array<i32>} : memref<16384xf32, #tpu.memory_space<vmem>>, vector<16xf32>,
        tpu.vector_store %arg7[%swap3A_302], %gather3A_295 {strides = array<i32>} : memref<16384xf32, #tpu.memory_space<vmem>>, vector<16xf32>,
        %mul3A_304 = arith.constant 128 : i32
        %mul3A_305 = arith.muli %add3A_102, %mul3A_304 : i32
        %add3A_306 = arith.constant 112 : i32
        %add3A_307 = arith.addi %mul3A_305, %add3A_306 : i32
        %swap3A_308 = arith.index_cast %add3A_307 : i32 to index
        %swap3A_309 = tpu.vector_load %arg7[%swap3A_308] {strides = array<i32>} : memref<16384xf32, #tpu.memory_space<vmem>>, vector<16xf32>,
        tpu.vector_store %arg7[%swap3A_308], %gather3A_297 {strides = array<i32>} : memref<16384xf32, #tpu.memory_space<vmem>>, vector<16xf32>,
      }
      %scan3A_51 = arith.constant 64 : i32
      %mul3A_52 = arith.constant 8192 : i32
      %mul3A_53 = arith.muli %add3A, %mul3A_52 : i32
      %mul3A_54 = arith.constant 2048 : i32
      %mul3A_55 = arith.muli %mul3A_31, %mul3A_54 : i32
      %add3A_56 = arith.addi %mul3A_53, %mul3A_55 : i32
      %mul3A_57 = arith.constant 8 : i32
      %mul3A_58 = arith.muli %add3A_56, %mul3A_57 : i32
      %dma_start3A_59 = tpu.memref_slice %arg4[%mul3A_58] : memref<2097152xf32, #tpu.memory_space<hbm>> -> memref<16384xf32, #tpu.memory_space<hbm>>
      %dma_start3A_60 = tpu.memref_slice %arg4[%mul3A_58] : memref<2097152xf32, #tpu.memory_space<hbm>> -> memref<16384xf32, #tpu.memory_space<hbm>>
      tpu.enqueue_dma source(%arg7 : memref<16384xf32, #tpu.memory_space<vmem>>) target(%dma_start3A_60 : memref<16384xf32, #tpu.memory_space<hbm>>) target_semaphore(%arg14 : memref<!tpu.dma_semaphore, #tpu.memory_space<semaphore_mem>>)
      %mul3A_61 = arith.constant 2 : i32
      %mul3A_62 = arith.muli %mul3A_61, %scan3A_29 : i32
      %add3A_63 = arith.constant 1 : i32
      %add3A_64 = arith.addi %mul3A_62, %add3A_63 : i32
      %mul3A_65 = arith.constant 8192 : i32
      %mul3A_66 = arith.muli %add3A, %mul3A_65 : i32
      %mul3A_67 = arith.constant 2048 : i32
      %mul3A_68 = arith.muli %add3A_64, %mul3A_67 : i32
      %add3A_69 = arith.addi %mul3A_66, %mul3A_68 : i32
      %dma_wait3A_70 = tpu.memref_slice %arg2[%add3A_69] : memref<262144xi32, #tpu.memory_space<hbm>> -> memref<2048xi32, #tpu.memory_space<hbm>>
      %dma_wait3A_71 = tpu.memref_slice %arg2[%add3A_69] : memref<262144xi32, #tpu.memory_space<hbm>> -> memref<2048xi32, #tpu.memory_space<hbm>>
      tpu.wait_dma2 semaphore(%arg13 : memref<!tpu.dma_semaphore, #tpu.memory_space<semaphore_mem>>) src(%dma_wait3A_71 : memref<2048xi32, #tpu.memory_space<hbm>>) dst(%arg6 : memref<2048xi32, #tpu.memory_space<vmem>>)
      %ge3A_72 = arith.constant 2 : i32
      %ge3A_73 = arith.cmpi sge, %add3A_64, %ge3A_72 : i32
      %convert_element_type3A_74 = arith.extui %ge3A_73 : i1 to i32
      %cond3A_75 = arith.constant 0 : i32
      %cond3A_76 = arith.cmpi ne, %convert_element_type3A_74, %cond3A_75 : i32
      scf.if %cond3A_76 {
        %sub3A = arith.constant 2 : i32
        %sub3A_98 = arith.subi %add3A_64, %sub3A : i32
        %mul3A_99 = arith.constant 8192 : i32
        %mul3A_100 = arith.muli %add3A, %mul3A_99 : i32
        %mul3A_101 = arith.constant 2048 : i32
        %mul3A_102 = arith.muli %sub3A_98, %mul3A_101 : i32
        %add3A_103 = arith.addi %mul3A_100, %mul3A_102 : i32
        %mul3A_104 = arith.constant 8 : i32
        %mul3A_105 = arith.muli %add3A_103, %mul3A_104 : i32
        %dma_wait3A_106 = tpu.memref_slice %arg4[%mul3A_105] : memref<2097152xf32, #tpu.memory_space<hbm>> -> memref<16384xf32, #tpu.memory_space<hbm>>
        %dma_wait3A_107 = tpu.memref_slice %arg4[%mul3A_105] : memref<2097152xf32, #tpu.memory_space<hbm>> -> memref<16384xf32, #tpu.memory_space<hbm>>
        tpu.wait_dma2 semaphore(%arg15 : memref<!tpu.dma_semaphore, #tpu.memory_space<semaphore_mem>>) src(%arg8 : memref<16384xf32, #tpu.memory_space<vmem>>) dst(%dma_wait3A_107 : memref<16384xf32, #tpu.memory_space<hbm>>)
      } else {
      }
      %add3A_77 = arith.constant 1 : i32
      %add3A_78 = arith.addi %add3A_64, %add3A_77 : i32
      %lt3A_79 = arith.constant 4 : i32
      %lt3A_80 = arith.cmpi slt, %add3A_78, %lt3A_79 : i32
      %convert_element_type3A_81 = arith.extui %lt3A_80 : i1 to i32
      %cond3A_82 = arith.constant 0 : i32
      %cond3A_83 = arith.cmpi ne, %convert_element_type3A_81, %cond3A_82 : i32
      scf.if %cond3A_83 {
        %add3A_98 = arith.constant 1 : i32
        %add3A_99 = arith.addi %add3A_64, %add3A_98 : i32
        %mul3A_100 = arith.constant 8192 : i32
        %mul3A_101 = arith.muli %add3A, %mul3A_100 : i32
        %mul3A_102 = arith.constant 2048 : i32
        %mul3A_103 = arith.muli %add3A_99, %mul3A_102 : i32
        %add3A_104 = arith.addi %mul3A_101, %mul3A_103 : i32
        %dma_start3A_105 = tpu.memref_slice %arg2[%add3A_104] : memref<262144xi32, #tpu.memory_space<hbm>> -> memref<2048xi32, #tpu.memory_space<hbm>>
        %dma_start3A_106 = tpu.memref_slice %arg2[%add3A_104] : memref<262144xi32, #tpu.memory_space<hbm>> -> memref<2048xi32, #tpu.memory_space<hbm>>
        tpu.enqueue_dma source(%dma_start3A_106 : memref<2048xi32, #tpu.memory_space<hbm>>) target(%arg5 : memref<2048xi32, #tpu.memory_space<vmem>>) target_semaphore(%arg12 : memref<!tpu.dma_semaphore, #tpu.memory_space<semaphore_mem>>)
      } else {
      }
      %scan3A_84 = arith.constant 0 : i32
      %scan3A_85 = arith.constant 64 : i32
      %scan3A_86 = arith.addi %scan3A_84, %scan3A_85 : i32
      %scan3A_87 = arith.constant 1 : i32
      scf.for %scan3A_98 = %scan3A_84 to %scan3A_86 step %scan3A_87  : i32 {
        %mul3A_99 = arith.constant 2 : i32
        %mul3A_100 = arith.muli %mul3A_99, %scan3A_98 : i32
        %add3A_101 = arith.constant 1 : i32
        %add3A_102 = arith.addi %mul3A_100, %add3A_101 : i32
        %mul3A_103 = arith.constant 16 : i32
        %mul3A_104 = arith.muli %mul3A_100, %mul3A_103 : i32
        %get3A = arith.index_cast %mul3A_104 : i32 to index
        %get3A_105 = tpu.vector_load %arg6[%get3A] {strides = array<i32>} : memref<2048xi32, #tpu.memory_space<vmem>>, vector<16xi32>,
        %mul3A_106 = arith.constant 8 : i32
        %mul3A_107 = vector.broadcast %mul3A_106 : i32 to vector<16xi32>
        %mul3A_108 = arith.muli %get3A_105, %mul3A_107 : vector<16xi32>
        %swap3A = arith.constant 0 : index
        %swap3A_109 = tpu.vector_load %arg9[%swap3A] {strides = array<i32>} : memref<16xi32, #tpu.memory_space<vmem>>, vector<16xi32>,
        tpu.vector_store %arg9[%swap3A], %mul3A_108 {strides = array<i32>} : memref<16xi32, #tpu.memory_space<vmem>>, vector<16xi32>,
        %mul3A_110 = arith.constant 16 : i32
        %mul3A_111 = arith.muli %add3A_102, %mul3A_110 : i32
        %get3A_112 = arith.index_cast %mul3A_111 : i32 to index
        %get3A_113 = tpu.vector_load %arg6[%get3A_112] {strides = array<i32>} : memref<2048xi32, #tpu.memory_space<vmem>>, vector<16xi32>,
        %mul3A_114 = arith.constant 8 : i32
        %mul3A_115 = vector.broadcast %mul3A_114 : i32 to vector<16xi32>
        %mul3A_116 = arith.muli %get3A_113, %mul3A_115 : vector<16xi32>
        %swap3A_117 = arith.constant 0 : index
        %swap3A_118 = tpu.vector_load %arg10[%swap3A_117] {strides = array<i32>} : memref<16xi32, #tpu.memory_space<vmem>>, vector<16xi32>,
        tpu.vector_store %arg10[%swap3A_117], %mul3A_116 {strides = array<i32>} : memref<16xi32, #tpu.memory_space<vmem>>, vector<16xi32>,
        %add3A_119 = arith.constant 0 : i32
        %add3A_120 = vector.broadcast %add3A_119 : i32 to vector<16xi32>
        %add3A_121 = arith.addi %shift_right_arithmetic3A_2, %add3A_120 : vector<16xi32>
        %gather3A = tpu.vector_load_idx %arg9[%add3A_121] : memref<16xi32, #tpu.memory_space<vmem>>[vector<16xi32>], vector<16xi32>,
        %add3A_122 = arith.constant 0 : i32
        %add3A_123 = vector.broadcast %add3A_122 : i32 to vector<16xi32>
        %add3A_124 = arith.addi %shift_right_arithmetic3A_2, %add3A_123 : vector<16xi32>
        %gather3A_125 = tpu.vector_load_idx %arg10[%add3A_124] : memref<16xi32, #tpu.memory_space<vmem>>[vector<16xi32>], vector<16xi32>,
        %add3A_126 = arith.addi %gather3A, %and3A_4 : vector<16xi32>
        %gather3A_127 = tpu.vector_load_idx %arg11[%add3A_126] : memref<512xf32, #tpu.memory_space<vmem>>[vector<16xi32>], vector<16xf32>,
        %add3A_128 = arith.addi %gather3A_125, %and3A_4 : vector<16xi32>
        %gather3A_129 = tpu.vector_load_idx %arg11[%add3A_128] : memref<512xf32, #tpu.memory_space<vmem>>[vector<16xi32>], vector<16xf32>,
        %mul3A_130 = arith.constant 128 : i32
        %mul3A_131 = arith.muli %mul3A_100, %mul3A_130 : i32
        %add3A_132 = arith.constant 0 : i32
        %add3A_133 = arith.addi %mul3A_131, %add3A_132 : i32
        %swap3A_134 = arith.index_cast %add3A_133 : i32 to index
        %swap3A_135 = tpu.vector_load %arg8[%swap3A_134] {strides = array<i32>} : memref<16384xf32, #tpu.memory_space<vmem>>, vector<16xf32>,
        tpu.vector_store %arg8[%swap3A_134], %gather3A_127 {strides = array<i32>} : memref<16384xf32, #tpu.memory_space<vmem>>, vector<16xf32>,
        %mul3A_136 = arith.constant 128 : i32
        %mul3A_137 = arith.muli %add3A_102, %mul3A_136 : i32
        %add3A_138 = arith.constant 0 : i32
        %add3A_139 = arith.addi %mul3A_137, %add3A_138 : i32
        %swap3A_140 = arith.index_cast %add3A_139 : i32 to index
        %swap3A_141 = tpu.vector_load %arg8[%swap3A_140] {strides = array<i32>} : memref<16384xf32, #tpu.memory_space<vmem>>, vector<16xf32>,
        tpu.vector_store %arg8[%swap3A_140], %gather3A_129 {strides = array<i32>} : memref<16384xf32, #tpu.memory_space<vmem>>, vector<16xf32>,
        %add3A_142 = arith.constant 2 : i32
        %add3A_143 = vector.broadcast %add3A_142 : i32 to vector<16xi32>
        %add3A_144 = arith.addi %shift_right_arithmetic3A_2, %add3A_143 : vector<16xi32>
        %gather3A_145 = tpu.vector_load_idx %arg9[%add3A_144] : memref<16xi32, #tpu.memory_space<vmem>>[vector<16xi32>], vector<16xi32>,
        %add3A_146 = arith.constant 2 : i32
        %add3A_147 = vector.broadcast %add3A_146 : i32 to vector<16xi32>
        %add3A_148 = arith.addi %shift_right_arithmetic3A_2, %add3A_147 : vector<16xi32>
        %gather3A_149 = tpu.vector_load_idx %arg10[%add3A_148] : memref<16xi32, #tpu.memory_space<vmem>>[vector<16xi32>], vector<16xi32>,
        %add3A_150 = arith.addi %gather3A_145, %and3A_4 : vector<16xi32>
        %gather3A_151 = tpu.vector_load_idx %arg11[%add3A_150] : memref<512xf32, #tpu.memory_space<vmem>>[vector<16xi32>], vector<16xf32>,
        %add3A_152 = arith.addi %gather3A_149, %and3A_4 : vector<16xi32>
        %gather3A_153 = tpu.vector_load_idx %arg11[%add3A_152] : memref<512xf32, #tpu.memory_space<vmem>>[vector<16xi32>], vector<16xf32>,
        %mul3A_154 = arith.constant 128 : i32
        %mul3A_155 = arith.muli %mul3A_100, %mul3A_154 : i32
        %add3A_156 = arith.constant 16 : i32
        %add3A_157 = arith.addi %mul3A_155, %add3A_156 : i32
        %swap3A_158 = arith.index_cast %add3A_157 : i32 to index
        %swap3A_159 = tpu.vector_load %arg8[%swap3A_158] {strides = array<i32>} : memref<16384xf32, #tpu.memory_space<vmem>>, vector<16xf32>,
        tpu.vector_store %arg8[%swap3A_158], %gather3A_151 {strides = array<i32>} : memref<16384xf32, #tpu.memory_space<vmem>>, vector<16xf32>,
        %mul3A_160 = arith.constant 128 : i32
        %mul3A_161 = arith.muli %add3A_102, %mul3A_160 : i32
        %add3A_162 = arith.constant 16 : i32
        %add3A_163 = arith.addi %mul3A_161, %add3A_162 : i32
        %swap3A_164 = arith.index_cast %add3A_163 : i32 to index
        %swap3A_165 = tpu.vector_load %arg8[%swap3A_164] {strides = array<i32>} : memref<16384xf32, #tpu.memory_space<vmem>>, vector<16xf32>,
        tpu.vector_store %arg8[%swap3A_164], %gather3A_153 {strides = array<i32>} : memref<16384xf32, #tpu.memory_space<vmem>>, vector<16xf32>,
        %add3A_166 = arith.constant 4 : i32
        %add3A_167 = vector.broadcast %add3A_166 : i32 to vector<16xi32>
        %add3A_168 = arith.addi %shift_right_arithmetic3A_2, %add3A_167 : vector<16xi32>
        %gather3A_169 = tpu.vector_load_idx %arg9[%add3A_168] : memref<16xi32, #tpu.memory_space<vmem>>[vector<16xi32>], vector<16xi32>,
        %add3A_170 = arith.constant 4 : i32
        %add3A_171 = vector.broadcast %add3A_170 : i32 to vector<16xi32>
        %add3A_172 = arith.addi %shift_right_arithmetic3A_2, %add3A_171 : vector<16xi32>
        %gather3A_173 = tpu.vector_load_idx %arg10[%add3A_172] : memref<16xi32, #tpu.memory_space<vmem>>[vector<16xi32>], vector<16xi32>,
        %add3A_174 = arith.addi %gather3A_169, %and3A_4 : vector<16xi32>
        %gather3A_175 = tpu.vector_load_idx %arg11[%add3A_174] : memref<512xf32, #tpu.memory_space<vmem>>[vector<16xi32>], vector<16xf32>,
        %add3A_176 = arith.addi %gather3A_173, %and3A_4 : vector<16xi32>
        %gather3A_177 = tpu.vector_load_idx %arg11[%add3A_176] : memref<512xf32, #tpu.memory_space<vmem>>[vector<16xi32>], vector<16xf32>,
        %mul3A_178 = arith.constant 128 : i32
        %mul3A_179 = arith.muli %mul3A_100, %mul3A_178 : i32
        %add3A_180 = arith.constant 32 : i32
        %add3A_181 = arith.addi %mul3A_179, %add3A_180 : i32
        %swap3A_182 = arith.index_cast %add3A_181 : i32 to index
        %swap3A_183 = tpu.vector_load %arg8[%swap3A_182] {strides = array<i32>} : memref<16384xf32, #tpu.memory_space<vmem>>, vector<16xf32>,
        tpu.vector_store %arg8[%swap3A_182], %gather3A_175 {strides = array<i32>} : memref<16384xf32, #tpu.memory_space<vmem>>, vector<16xf32>,
        %mul3A_184 = arith.constant 128 : i32
        %mul3A_185 = arith.muli %add3A_102, %mul3A_184 : i32
        %add3A_186 = arith.constant 32 : i32
        %add3A_187 = arith.addi %mul3A_185, %add3A_186 : i32
        %swap3A_188 = arith.index_cast %add3A_187 : i32 to index
        %swap3A_189 = tpu.vector_load %arg8[%swap3A_188] {strides = array<i32>} : memref<16384xf32, #tpu.memory_space<vmem>>, vector<16xf32>,
        tpu.vector_store %arg8[%swap3A_188], %gather3A_177 {strides = array<i32>} : memref<16384xf32, #tpu.memory_space<vmem>>, vector<16xf32>,
        %add3A_190 = arith.constant 6 : i32
        %add3A_191 = vector.broadcast %add3A_190 : i32 to vector<16xi32>
        %add3A_192 = arith.addi %shift_right_arithmetic3A_2, %add3A_191 : vector<16xi32>
        %gather3A_193 = tpu.vector_load_idx %arg9[%add3A_192] : memref<16xi32, #tpu.memory_space<vmem>>[vector<16xi32>], vector<16xi32>,
        %add3A_194 = arith.constant 6 : i32
        %add3A_195 = vector.broadcast %add3A_194 : i32 to vector<16xi32>
        %add3A_196 = arith.addi %shift_right_arithmetic3A_2, %add3A_195 : vector<16xi32>
        %gather3A_197 = tpu.vector_load_idx %arg10[%add3A_196] : memref<16xi32, #tpu.memory_space<vmem>>[vector<16xi32>], vector<16xi32>,
        %add3A_198 = arith.addi %gather3A_193, %and3A_4 : vector<16xi32>
        %gather3A_199 = tpu.vector_load_idx %arg11[%add3A_198] : memref<512xf32, #tpu.memory_space<vmem>>[vector<16xi32>], vector<16xf32>,
        %add3A_200 = arith.addi %gather3A_197, %and3A_4 : vector<16xi32>
        %gather3A_201 = tpu.vector_load_idx %arg11[%add3A_200] : memref<512xf32, #tpu.memory_space<vmem>>[vector<16xi32>], vector<16xf32>,
        %mul3A_202 = arith.constant 128 : i32
        %mul3A_203 = arith.muli %mul3A_100, %mul3A_202 : i32
        %add3A_204 = arith.constant 48 : i32
        %add3A_205 = arith.addi %mul3A_203, %add3A_204 : i32
        %swap3A_206 = arith.index_cast %add3A_205 : i32 to index
        %swap3A_207 = tpu.vector_load %arg8[%swap3A_206] {strides = array<i32>} : memref<16384xf32, #tpu.memory_space<vmem>>, vector<16xf32>,
        tpu.vector_store %arg8[%swap3A_206], %gather3A_199 {strides = array<i32>} : memref<16384xf32, #tpu.memory_space<vmem>>, vector<16xf32>,
        %mul3A_208 = arith.constant 128 : i32
        %mul3A_209 = arith.muli %add3A_102, %mul3A_208 : i32
        %add3A_210 = arith.constant 48 : i32
        %add3A_211 = arith.addi %mul3A_209, %add3A_210 : i32
        %swap3A_212 = arith.index_cast %add3A_211 : i32 to index
        %swap3A_213 = tpu.vector_load %arg8[%swap3A_212] {strides = array<i32>} : memref<16384xf32, #tpu.memory_space<vmem>>, vector<16xf32>,
        tpu.vector_store %arg8[%swap3A_212], %gather3A_201 {strides = array<i32>} : memref<16384xf32, #tpu.memory_space<vmem>>, vector<16xf32>,
        %add3A_214 = arith.constant 8 : i32
        %add3A_215 = vector.broadcast %add3A_214 : i32 to vector<16xi32>
        %add3A_216 = arith.addi %shift_right_arithmetic3A_2, %add3A_215 : vector<16xi32>
        %gather3A_217 = tpu.vector_load_idx %arg9[%add3A_216] : memref<16xi32, #tpu.memory_space<vmem>>[vector<16xi32>], vector<16xi32>,
        %add3A_218 = arith.constant 8 : i32
        %add3A_219 = vector.broadcast %add3A_218 : i32 to vector<16xi32>
        %add3A_220 = arith.addi %shift_right_arithmetic3A_2, %add3A_219 : vector<16xi32>
        %gather3A_221 = tpu.vector_load_idx %arg10[%add3A_220] : memref<16xi32, #tpu.memory_space<vmem>>[vector<16xi32>], vector<16xi32>,
        %add3A_222 = arith.addi %gather3A_217, %and3A_4 : vector<16xi32>
        %gather3A_223 = tpu.vector_load_idx %arg11[%add3A_222] : memref<512xf32, #tpu.memory_space<vmem>>[vector<16xi32>], vector<16xf32>,
        %add3A_224 = arith.addi %gather3A_221, %and3A_4 : vector<16xi32>
        %gather3A_225 = tpu.vector_load_idx %arg11[%add3A_224] : memref<512xf32, #tpu.memory_space<vmem>>[vector<16xi32>], vector<16xf32>,
        %mul3A_226 = arith.constant 128 : i32
        %mul3A_227 = arith.muli %mul3A_100, %mul3A_226 : i32
        %add3A_228 = arith.constant 64 : i32
        %add3A_229 = arith.addi %mul3A_227, %add3A_228 : i32
        %swap3A_230 = arith.index_cast %add3A_229 : i32 to index
        %swap3A_231 = tpu.vector_load %arg8[%swap3A_230] {strides = array<i32>} : memref<16384xf32, #tpu.memory_space<vmem>>, vector<16xf32>,
        tpu.vector_store %arg8[%swap3A_230], %gather3A_223 {strides = array<i32>} : memref<16384xf32, #tpu.memory_space<vmem>>, vector<16xf32>,
        %mul3A_232 = arith.constant 128 : i32
        %mul3A_233 = arith.muli %add3A_102, %mul3A_232 : i32
        %add3A_234 = arith.constant 64 : i32
        %add3A_235 = arith.addi %mul3A_233, %add3A_234 : i32
        %swap3A_236 = arith.index_cast %add3A_235 : i32 to index
        %swap3A_237 = tpu.vector_load %arg8[%swap3A_236] {strides = array<i32>} : memref<16384xf32, #tpu.memory_space<vmem>>, vector<16xf32>,
        tpu.vector_store %arg8[%swap3A_236], %gather3A_225 {strides = array<i32>} : memref<16384xf32, #tpu.memory_space<vmem>>, vector<16xf32>,
        %add3A_238 = arith.constant 10 : i32
        %add3A_239 = vector.broadcast %add3A_238 : i32 to vector<16xi32>
        %add3A_240 = arith.addi %shift_right_arithmetic3A_2, %add3A_239 : vector<16xi32>
        %gather3A_241 = tpu.vector_load_idx %arg9[%add3A_240] : memref<16xi32, #tpu.memory_space<vmem>>[vector<16xi32>], vector<16xi32>,
        %add3A_242 = arith.constant 10 : i32
        %add3A_243 = vector.broadcast %add3A_242 : i32 to vector<16xi32>
        %add3A_244 = arith.addi %shift_right_arithmetic3A_2, %add3A_243 : vector<16xi32>
        %gather3A_245 = tpu.vector_load_idx %arg10[%add3A_244] : memref<16xi32, #tpu.memory_space<vmem>>[vector<16xi32>], vector<16xi32>,
        %add3A_246 = arith.addi %gather3A_241, %and3A_4 : vector<16xi32>
        %gather3A_247 = tpu.vector_load_idx %arg11[%add3A_246] : memref<512xf32, #tpu.memory_space<vmem>>[vector<16xi32>], vector<16xf32>,
        %add3A_248 = arith.addi %gather3A_245, %and3A_4 : vector<16xi32>
        %gather3A_249 = tpu.vector_load_idx %arg11[%add3A_248] : memref<512xf32, #tpu.memory_space<vmem>>[vector<16xi32>], vector<16xf32>,
        %mul3A_250 = arith.constant 128 : i32
        %mul3A_251 = arith.muli %mul3A_100, %mul3A_250 : i32
        %add3A_252 = arith.constant 80 : i32
        %add3A_253 = arith.addi %mul3A_251, %add3A_252 : i32
        %swap3A_254 = arith.index_cast %add3A_253 : i32 to index
        %swap3A_255 = tpu.vector_load %arg8[%swap3A_254] {strides = array<i32>} : memref<16384xf32, #tpu.memory_space<vmem>>, vector<16xf32>,
        tpu.vector_store %arg8[%swap3A_254], %gather3A_247 {strides = array<i32>} : memref<16384xf32, #tpu.memory_space<vmem>>, vector<16xf32>,
        %mul3A_256 = arith.constant 128 : i32
        %mul3A_257 = arith.muli %add3A_102, %mul3A_256 : i32
        %add3A_258 = arith.constant 80 : i32
        %add3A_259 = arith.addi %mul3A_257, %add3A_258 : i32
        %swap3A_260 = arith.index_cast %add3A_259 : i32 to index
        %swap3A_261 = tpu.vector_load %arg8[%swap3A_260] {strides = array<i32>} : memref<16384xf32, #tpu.memory_space<vmem>>, vector<16xf32>,
        tpu.vector_store %arg8[%swap3A_260], %gather3A_249 {strides = array<i32>} : memref<16384xf32, #tpu.memory_space<vmem>>, vector<16xf32>,
        %add3A_262 = arith.constant 12 : i32
        %add3A_263 = vector.broadcast %add3A_262 : i32 to vector<16xi32>
        %add3A_264 = arith.addi %shift_right_arithmetic3A_2, %add3A_263 : vector<16xi32>
        %gather3A_265 = tpu.vector_load_idx %arg9[%add3A_264] : memref<16xi32, #tpu.memory_space<vmem>>[vector<16xi32>], vector<16xi32>,
        %add3A_266 = arith.constant 12 : i32
        %add3A_267 = vector.broadcast %add3A_266 : i32 to vector<16xi32>
        %add3A_268 = arith.addi %shift_right_arithmetic3A_2, %add3A_267 : vector<16xi32>
        %gather3A_269 = tpu.vector_load_idx %arg10[%add3A_268] : memref<16xi32, #tpu.memory_space<vmem>>[vector<16xi32>], vector<16xi32>,
        %add3A_270 = arith.addi %gather3A_265, %and3A_4 : vector<16xi32>
        %gather3A_271 = tpu.vector_load_idx %arg11[%add3A_270] : memref<512xf32, #tpu.memory_space<vmem>>[vector<16xi32>], vector<16xf32>,
        %add3A_272 = arith.addi %gather3A_269, %and3A_4 : vector<16xi32>
        %gather3A_273 = tpu.vector_load_idx %arg11[%add3A_272] : memref<512xf32, #tpu.memory_space<vmem>>[vector<16xi32>], vector<16xf32>,
        %mul3A_274 = arith.constant 128 : i32
        %mul3A_275 = arith.muli %mul3A_100, %mul3A_274 : i32
        %add3A_276 = arith.constant 96 : i32
        %add3A_277 = arith.addi %mul3A_275, %add3A_276 : i32
        %swap3A_278 = arith.index_cast %add3A_277 : i32 to index
        %swap3A_279 = tpu.vector_load %arg8[%swap3A_278] {strides = array<i32>} : memref<16384xf32, #tpu.memory_space<vmem>>, vector<16xf32>,
        tpu.vector_store %arg8[%swap3A_278], %gather3A_271 {strides = array<i32>} : memref<16384xf32, #tpu.memory_space<vmem>>, vector<16xf32>,
        %mul3A_280 = arith.constant 128 : i32
        %mul3A_281 = arith.muli %add3A_102, %mul3A_280 : i32
        %add3A_282 = arith.constant 96 : i32
        %add3A_283 = arith.addi %mul3A_281, %add3A_282 : i32
        %swap3A_284 = arith.index_cast %add3A_283 : i32 to index
        %swap3A_285 = tpu.vector_load %arg8[%swap3A_284] {strides = array<i32>} : memref<16384xf32, #tpu.memory_space<vmem>>, vector<16xf32>,
        tpu.vector_store %arg8[%swap3A_284], %gather3A_273 {strides = array<i32>} : memref<16384xf32, #tpu.memory_space<vmem>>, vector<16xf32>,
        %add3A_286 = arith.constant 14 : i32
        %add3A_287 = vector.broadcast %add3A_286 : i32 to vector<16xi32>
        %add3A_288 = arith.addi %shift_right_arithmetic3A_2, %add3A_287 : vector<16xi32>
        %gather3A_289 = tpu.vector_load_idx %arg9[%add3A_288] : memref<16xi32, #tpu.memory_space<vmem>>[vector<16xi32>], vector<16xi32>,
        %add3A_290 = arith.constant 14 : i32
        %add3A_291 = vector.broadcast %add3A_290 : i32 to vector<16xi32>
        %add3A_292 = arith.addi %shift_right_arithmetic3A_2, %add3A_291 : vector<16xi32>
        %gather3A_293 = tpu.vector_load_idx %arg10[%add3A_292] : memref<16xi32, #tpu.memory_space<vmem>>[vector<16xi32>], vector<16xi32>,
        %add3A_294 = arith.addi %gather3A_289, %and3A_4 : vector<16xi32>
        %gather3A_295 = tpu.vector_load_idx %arg11[%add3A_294] : memref<512xf32, #tpu.memory_space<vmem>>[vector<16xi32>], vector<16xf32>,
        %add3A_296 = arith.addi %gather3A_293, %and3A_4 : vector<16xi32>
        %gather3A_297 = tpu.vector_load_idx %arg11[%add3A_296] : memref<512xf32, #tpu.memory_space<vmem>>[vector<16xi32>], vector<16xf32>,
        %mul3A_298 = arith.constant 128 : i32
        %mul3A_299 = arith.muli %mul3A_100, %mul3A_298 : i32
        %add3A_300 = arith.constant 112 : i32
        %add3A_301 = arith.addi %mul3A_299, %add3A_300 : i32
        %swap3A_302 = arith.index_cast %add3A_301 : i32 to index
        %swap3A_303 = tpu.vector_load %arg8[%swap3A_302] {strides = array<i32>} : memref<16384xf32, #tpu.memory_space<vmem>>, vector<16xf32>,
        tpu.vector_store %arg8[%swap3A_302], %gather3A_295 {strides = array<i32>} : memref<16384xf32, #tpu.memory_space<vmem>>, vector<16xf32>,
        %mul3A_304 = arith.constant 128 : i32
        %mul3A_305 = arith.muli %add3A_102, %mul3A_304 : i32
        %add3A_306 = arith.constant 112 : i32
        %add3A_307 = arith.addi %mul3A_305, %add3A_306 : i32
        %swap3A_308 = arith.index_cast %add3A_307 : i32 to index
        %swap3A_309 = tpu.vector_load %arg8[%swap3A_308] {strides = array<i32>} : memref<16384xf32, #tpu.memory_space<vmem>>, vector<16xf32>,
        tpu.vector_store %arg8[%swap3A_308], %gather3A_297 {strides = array<i32>} : memref<16384xf32, #tpu.memory_space<vmem>>, vector<16xf32>,
      }
      %scan3A_88 = arith.constant 64 : i32
      %mul3A_89 = arith.constant 8192 : i32
      %mul3A_90 = arith.muli %add3A, %mul3A_89 : i32
      %mul3A_91 = arith.constant 2048 : i32
      %mul3A_92 = arith.muli %add3A_64, %mul3A_91 : i32
      %add3A_93 = arith.addi %mul3A_90, %mul3A_92 : i32
      %mul3A_94 = arith.constant 8 : i32
      %mul3A_95 = arith.muli %add3A_93, %mul3A_94 : i32
      %dma_start3A_96 = tpu.memref_slice %arg4[%mul3A_95] : memref<2097152xf32, #tpu.memory_space<hbm>> -> memref<16384xf32, #tpu.memory_space<hbm>>
      %dma_start3A_97 = tpu.memref_slice %arg4[%mul3A_95] : memref<2097152xf32, #tpu.memory_space<hbm>> -> memref<16384xf32, #tpu.memory_space<hbm>>
      tpu.enqueue_dma source(%arg8 : memref<16384xf32, #tpu.memory_space<vmem>>) target(%dma_start3A_97 : memref<16384xf32, #tpu.memory_space<hbm>>) target_semaphore(%arg15 : memref<!tpu.dma_semaphore, #tpu.memory_space<semaphore_mem>>)
    }
    %scan3A_13 = arith.constant 2 : i32
    %mul3A_14 = arith.constant 8192 : i32
    %mul3A_15 = arith.muli %add3A, %mul3A_14 : i32
    %add3A_16 = arith.constant 4096 : i32
    %add3A_17 = arith.addi %mul3A_15, %add3A_16 : i32
    %mul3A_18 = arith.constant 8 : i32
    %mul3A_19 = arith.muli %add3A_17, %mul3A_18 : i32
    %dma_wait3A = tpu.memref_slice %arg4[%mul3A_19] : memref<2097152xf32, #tpu.memory_space<hbm>> -> memref<16384xf32, #tpu.memory_space<hbm>>
    %dma_wait3A_20 = tpu.memref_slice %arg4[%mul3A_19] : memref<2097152xf32, #tpu.memory_space<hbm>> -> memref<16384xf32, #tpu.memory_space<hbm>>
    tpu.wait_dma2 semaphore(%arg14 : memref<!tpu.dma_semaphore, #tpu.memory_space<semaphore_mem>>) src(%arg7 : memref<16384xf32, #tpu.memory_space<vmem>>) dst(%dma_wait3A_20 : memref<16384xf32, #tpu.memory_space<hbm>>)
    %mul3A_21 = arith.constant 8192 : i32
    %mul3A_22 = arith.muli %add3A, %mul3A_21 : i32
    %add3A_23 = arith.constant 6144 : i32
    %add3A_24 = arith.addi %mul3A_22, %add3A_23 : i32
    %mul3A_25 = arith.constant 8 : i32
    %mul3A_26 = arith.muli %add3A_24, %mul3A_25 : i32
    %dma_wait3A_27 = tpu.memref_slice %arg4[%mul3A_26] : memref<2097152xf32, #tpu.memory_space<hbm>> -> memref<16384xf32, #tpu.memory_space<hbm>>
    %dma_wait3A_28 = tpu.memref_slice %arg4[%mul3A_26] : memref<2097152xf32, #tpu.memory_space<hbm>> -> memref<16384xf32, #tpu.memory_space<hbm>>
    tpu.wait_dma2 semaphore(%arg15 : memref<!tpu.dma_semaphore, #tpu.memory_space<semaphore_mem>>) src(%arg8 : memref<16384xf32, #tpu.memory_space<vmem>>) dst(%dma_wait3A_28 : memref<16384xf32, #tpu.memory_space<hbm>>)
    return
  }
}

module attributes {stable_mosaic.version = 14 : i64} {
  func.func @_tc_body(%arg0: i32, %arg1: memref<8192xi32, #tpu.memory_space<vmem>>, %arg2: memref<64xf32, #tpu.memory_space<vmem>>, %arg3: memref<1x64x8192xf32, #tpu.memory_space<vmem>>) attributes {dimension_semantics = [#tpu.dimension_semantics<parallel>], iteration_bounds = array<i64: 32>, scalar_prefetch = 0 : i64, scratch_operands = 0 : i64, tpu.core_type = #tpu.core_type<tc>, window_params = [{transform_indices = @transform_0, window_bounds = array<i64: 8192>}, {pipeline_mode = #tpu.pipeline_mode<synchronous>, transform_indices = @transform_1, window_bounds = array<i64: 64>}, {transform_indices = @transform_2, window_bounds = array<i64: 1, 64, 8192>}]} {
    %get3A = arith.constant 0 : index
    %get3A_0 = vector.load %arg1[%get3A] : memref<8192xi32, #tpu.memory_space<vmem>>, vector<8192xi32>
    %get3A_1 = arith.constant 0 : index
    %get3A_2 = vector.load %arg2[%get3A_1] : memref<64xf32, #tpu.memory_space<vmem>>, vector<64xf32>
    %mul3A = arith.constant 1.000000e+01 : f32
    %mul3A_3 = vector.broadcast %mul3A : f32 to vector<64xf32>
    %mul3A_4 = arith.mulf %get3A_2, %mul3A_3 : vector<64xf32>
    %round3A = math.roundeven %mul3A_4 : vector<64xf32>
    %max3A = arith.constant 0.000000e+00 : f32
    %max3A_5 = vector.broadcast %max3A : f32 to vector<64xf32>
    %max3A_6 = arith.maximumf %round3A, %max3A_5 : vector<64xf32>
    %convert_element_type3A = arith.fptosi %max3A_6 : vector<64xf32> to vector<64xi32>
    %jit3A = arith.constant 64 : i32
    %eq3A = arith.constant 0 : i32
    %eq3A_7 = arith.cmpi eq, %jit3A, %eq3A : i32
    %jit3A_8 = arith.constant 1 : i32
    %select_n3A = arith.select %eq3A_7, %jit3A_8, %jit3A : i32
    %rem3A = vector.broadcast %select_n3A : i32 to vector<64xi32>
    %rem3A_9 = arith.remsi %convert_element_type3A, %rem3A : vector<64xi32>
    %ne3A = arith.constant 0 : i32
    %ne3A_10 = vector.broadcast %ne3A : i32 to vector<64xi32>
    %ne3A_11 = arith.cmpi ne, %rem3A_9, %ne3A_10 : vector<64xi32>
    %lt3A = arith.constant 0 : i32
    %lt3A_12 = vector.broadcast %lt3A : i32 to vector<64xi32>
    %lt3A_13 = arith.cmpi slt, %rem3A_9, %lt3A_12 : vector<64xi32>
    %lt3A_14 = arith.constant 0 : i32
    %lt3A_15 = arith.cmpi slt, %select_n3A, %lt3A_14 : i32
    %ne3A_16 = vector.broadcast %lt3A_15 : i1 to vector<64xi1>
    %ne3A_17 = vector.broadcast %ne3A_16 : vector<64xi1> to vector<64xi1>
    %ne3A_18 = arith.xori %lt3A_13, %ne3A_17 : vector<64xi1>
    %and3A = arith.andi %ne3A_18, %ne3A_11 : vector<64xi1>
    %add3A = vector.broadcast %select_n3A : i32 to vector<64xi32>
    %add3A_19 = arith.addi %rem3A_9, %add3A : vector<64xi32>
    %select_n3A_20 = arith.select %and3A, %add3A_19, %rem3A_9 : vector<64xi1>, vector<64xi32>
    %convert_element_type3A_21 = arith.sitofp %select_n3A_20 : vector<64xi32> to vector<64xf32>
    %div3A = arith.constant 1.000000e+01 : f32
    %div3A_22 = vector.broadcast %div3A : f32 to vector<64xf32>
    %div3A_23 = arith.divf %convert_element_type3A_21, %div3A_22 : vector<64xf32>
    %iota3A = tpu.iota {dimensions = array<i32: 0>} : vector<64x64xi32>
    %broadcast_in_dim3A = vector.shape_cast %select_n3A_20 : vector<64xi32> to vector<1x64xi32>
    %eq3A_24 = vector.broadcast %broadcast_in_dim3A : vector<1x64xi32> to vector<64x64xi32>
    %eq3A_25 = arith.cmpi eq, %iota3A, %eq3A_24 : vector<64x64xi32>
    %broadcast_in_dim3A_26 = vector.shape_cast %div3A_23 : vector<64xf32> to vector<1x64xf32>
    %jit3A_27 = arith.constant 0.000000e+00 : f32
    %broadcast_in_dim3A_28 = vector.shape_cast %broadcast_in_dim3A_26 : vector<1x64xf32> to vector<1x64xf32>
    %broadcast_in_dim3A_29 = vector.broadcast %broadcast_in_dim3A_28 : vector<1x64xf32> to vector<64x64xf32>
    %broadcast_in_dim3A_30 = vector.broadcast %jit3A_27 : f32 to vector<64x64xf32>
    %select_n3A_31 = arith.select %eq3A_25, %broadcast_in_dim3A_29, %broadcast_in_dim3A_30 : vector<64x64xi1>, vector<64x64xf32>
    %iota3A_32 = tpu.iota {dimensions = array<i32: 0>} : vector<64x8192xi32>
    %broadcast_in_dim3A_33 = vector.shape_cast %get3A_0 : vector<8192xi32> to vector<1x8192xi32>
    %eq3A_34 = vector.broadcast %broadcast_in_dim3A_33 : vector<1x8192xi32> to vector<64x8192xi32>
    %eq3A_35 = arith.cmpi eq, %iota3A_32, %eq3A_34 : vector<64x8192xi32>
    %jit3A_36 = arith.constant 1.000000e+00 : f32
    %jit3A_37 = arith.constant 0.000000e+00 : f32
    %broadcast_in_dim3A_38 = vector.broadcast %jit3A_36 : f32 to vector<64x8192xf32>
    %broadcast_in_dim3A_39 = vector.broadcast %jit3A_37 : f32 to vector<64x8192xf32>
    %select_n3A_40 = arith.select %eq3A_35, %broadcast_in_dim3A_38, %broadcast_in_dim3A_39 : vector<64x8192xi1>, vector<64x8192xf32>
    %dot_general3A = arith.constant dense<0.000000e+00> : vector<64x8192xf32>
    %dot_general3A_41 = tpu.matmul %select_n3A_31, %select_n3A_40, %dot_general3A {dimension_numbers = #tpu.dot_dimension_numbers<[1], [0], [0], [1], [0, 0, 1, 1], [], []>, precision = #tpu.contract_precision<fp32>, transpose_lhs_hint = false} : vector<64x64xf32>, vector<64x8192xf32>, vector<64x8192xf32> -> vector<64x8192xf32>
    %swap3A = arith.constant 0 : index
    %swap3A_42 = arith.constant 0 : index
    %swap3A_43 = arith.constant 0 : index
    %swap3A_44 = vector.load %arg3[%swap3A, %swap3A_42, %swap3A_43] : memref<1x64x8192xf32, #tpu.memory_space<vmem>>, vector<1x64x8192xf32>
    %swap3A_45 = vector.shape_cast %swap3A_44 : vector<1x64x8192xf32> to vector<64x8192xf32>
    %swap3A_46 = vector.shape_cast %dot_general3A_41 : vector<64x8192xf32> to vector<1x64x8192xf32>
    tpu.vector_store %arg3[%swap3A, %swap3A_42, %swap3A_43], %swap3A_46 {strides = array<i32>} : memref<1x64x8192xf32, #tpu.memory_space<vmem>>, vector<1x64x8192xf32>,
    return
  }
  func.func @transform_0(%arg0: i32) -> i32 {
    %c0_i32 = arith.constant 0 : i32
    return %arg0 : i32
  }
  func.func @transform_1(%arg0: i32) -> i32 {
    %c0_i32 = arith.constant 0 : i32
    %c0_i32_0 = arith.constant 0 : i32
    return %c0_i32 : i32
  }
  func.func @transform_2(%arg0: i32) -> (i32, i32, i32) {
    %c0_i32 = arith.constant 0 : i32
    %c0_i32_0 = arith.constant 0 : i32
    %c0_i32_1 = arith.constant 0 : i32
    return %arg0, %c0_i32, %c0_i32_0 : i32, i32, i32
  }
}

</mosaic_0001>

<sc_bundles>
// kernel: kernel.4.cloned.1.call-start
scs
__scs_entry_jumppad:
0x0: {  	(pc) =	sbr.rel $0x88, $3  }
0x1: {  	(tag) =	ssettag $0x0;
	lr =	simm.s32 $0x1  }
0x2: {  	[smem:$0x3F9F] =	sst lr;
	_ =	strace $0xD0000000  }
0x3: {  	_ = 	snop  }
0x4: {  	_ = 	snop  }
0x5: {  	_ = 	snop  }
0x6: {  	_ = 	snop  }
0x7: {  	_ = 	snop  }
__scs_overlays_trampoline_lowered:
0x8: {  	[smem:$0x3FAE] =	sst s0  }
0x9: {  	[smem:$0x3FAF] =	sst s1  }
0xa: {  	[smem:$0x3FB0] =	sst s2  }
0xb: {  	[smem:$0x3FB1] =	sst s3  }
0xc: {  	[smem:$0x3FB2] =	sst s4  }
0xd: {  	[smem:$0x3FB3] =	sst s5  }
0xe: {  	[smem:$0x3FB4] =	sst s6  }
0xf: {  	[smem:$0x3FB5] =	sst s7  }
0x10: {  	[smem:$0x3FB6] =	sst s8  }
0x11: {  	[smem:$0x3FB7] =	sst s9;
	s0 =	simm.s32 @!p0 $0x0  }
0x12: {  	s1 =	sld [smem:$0x3F9D];
	s0 =	simm.s32 @p0 $0x1  }
0x13: {  	[smem:$0x3FB8] =	sst s0;
	s0 =	simm.s32 @!p1 $0x0  }
0x14: {  	s2 =	sld [smem:$0x3F9C];
	s0 =	simm.s32 @p1 $0x1  }
0x15: {  	[smem:$0x3FB9] =	sst s0;
	s0 =	simm.s32 @!p2 $0x0  }
0x16: {  	s3 =	sld [smem:$0x3FDB];
	s0 =	simm.s32 @p2 $0x1  }
0x17: {  	s4 =	simm.s32 $0x1BF5;
	[smem:$0x3FBB] =	sst s0  }
0x18: {  	s0 =	sld [smem:$0x3F9E];
	_ =	swait.ge [sflag:s4], $0x0  }
0x19: {  	s7 =	sld [smem:$0x3F9F]  }
0x1a: {  	s8 =	sadd.s32 $0xFFFFE003, lr  }
0x1b: {  	s9 =	sadd.s32 $0xFFFFFEF7, lr;
	s5 =	simm.s32 $0xFFFFFFFF;
	p2 =	slt.u32 s8, $0xFFFFF086  }
0x1c: {  	p1 =	slt.u32 s9, $0xF7A;
	s5 =	simm.s32 @!p2 $0x0  }
0x1d: {  	s5 =	simm.s32 @p1 $0x1;
	p0 =	seq.s32 s7, s2  }
0x1e: {  	s7 =	smul.u32 @!p0 $0xF7A, s2;
	p2 =	seq.s32 @!p0 s5, $0x0  }
0x1f: {  	s9 =	smul.u32 $0xF7A, s1;
	s8 =	simm.s32 @!p0 $0x1BF5;
	p2 =	por !p2, p0  }
0x20: {  	[sflag:s8] =	ssyncset.s32 @!p0 $0xFFFFF086;
	s6 =	sadd.s32 @!p0 s3, s7;
	s7 =	simm.s32 @!p0 $0x108  }
0x21: {  	s3 =	sadd.s32 s3, s9;
	s6 =	sadd.s32 @!p0 $0x88, s6;
	s7 =	simm.s32 @p2 $0x1082  }
0x22: {  	[simem:s7], [sflag:s8] =	dma.local @!p0 [hbm:s6], $0xF7A  }
0x23: {  	s9 =	sor.u32 $0xD0000000, s2;
	s6 =	simm.s32 $0x108;
	_ =	swait.ge @!p0 [sflag:s8], $0x0  }
0x24: {  	s3 =	sadd.s32 $0x88, s3;
	s6 =	simm.s32 @!p1 $0x1082;
	[sflag:s4] =	ssyncset.s32 $0xFFFFF086  }
0x25: {  	[simem:s6], [sflag:s4] =	dma.local [hbm:s3], $0xF7A  }
0x26: {  	[smem:$0x3F9F] =	sst s1;
	(tag) =	ssettag s2;
	_ =	strace s9  }
0x27: {  	s1 =	sld [smem:$0x3FAF]  }
0x28: {  	s2 =	sld [smem:$0x3FB0]  }
0x29: {  	s4 =	sld [smem:$0x3FB2]  }
0x2a: {  	p0 =	seq.s32 s5, $0x0;
	s5 =	sld [smem:$0x3FB3]  }
0x2b: {  	s6 =	sld [smem:$0x3FB4]  }
0x2c: {  	s7 =	sld [smem:$0x3FB5]  }
0x2d: {  	s3 =	simm.s32 $0x108;
	s8 =	sld [smem:$0x3FB6]  }
0x2e: {  	s3 =	simm.s32 @!p0 $0x1082;
	s9 =	sld [smem:$0x3FB7]  }
0x2f: {  	lr =	sadd.s32 s0, s3;
	s0 =	sld [smem:$0x3FAE]  }
0x30: {  	s3 =	sld [smem:$0x3FB1]  }
0x31: {  	[smem:$0x3FBA] =	sst s10  }
0x32: {  	s10 =	sld [smem:$0x3FB8];
	_ =	sdelay $0x3  }
0x33: {  	p0 =	seq.s32 s10, $0x1;
	s10 =	sld [smem:$0x3FBA];
	_ =	sdelay $0x3  }
0x34: {  	[smem:$0x3FBA] =	sst s10  }
0x35: {  	s10 =	sld [smem:$0x3FB9];
	_ =	sdelay $0x3  }
0x36: {  	p1 =	seq.s32 s10, $0x1;
	s10 =	sld [smem:$0x3FBA];
	_ =	sdelay $0x3  }
0x37: {  	[smem:$0x3FBA] =	sst s10  }
0x38: {  	s10 =	sld [smem:$0x3FBB]  }
0x39: {  	_ = 	snop;
	(pc) =	sbr.ind lr, $3  }
0x3a: {  	_ = 	snop  }
0x3b: {  	_ = 	snop  }
0x3c: {  	p2 =	seq.s32 s10, $0x1;
	s10 =	sld [smem:$0x3FBA]  }
0x3d: {  	_ =	shalt  }
0x3e: {  	_ =	shalt  }
0x3f: {  	_ =	shalt  }
0x40: {  	_ =	shalt  }
0x41: {  	_ =	shalt  }
0x42: {  	_ =	shalt  }
0x43: {  	_ =	shalt  }
0x44: {  	_ =	shalt  }
0x45: {  	_ =	shalt  }
0x46: {  	_ =	shalt  }
0x47: {  	_ =	shalt  }
0x48: {  	_ =	shalt  }
0x49: {  	_ =	shalt  }
0x4a: {  	_ =	shalt  }
0x4b: {  	_ =	shalt  }
0x4c: {  	_ =	shalt  }
0x4d: {  	_ =	shalt  }
0x4e: {  	_ =	shalt  }
0x4f: {  	_ =	shalt  }
0x50: {  	_ =	shalt  }
0x51: {  	_ =	shalt  }
0x52: {  	_ =	shalt  }
0x53: {  	_ =	shalt  }
0x54: {  	_ =	shalt  }
0x55: {  	_ =	shalt  }
0x56: {  	_ =	shalt  }
0x57: {  	_ =	shalt  }
0x58: {  	_ =	shalt  }
0x59: {  	_ =	shalt  }
0x5a: {  	_ =	shalt  }
0x5b: {  	_ =	shalt  }
0x5c: {  	_ =	shalt  }
0x5d: {  	_ =	shalt  }
0x5e: {  	_ =	shalt  }
0x5f: {  	_ =	shalt  }
0x60: {  	_ =	shalt  }
0x61: {  	_ =	shalt  }
0x62: {  	_ =	shalt  }
0x63: {  	_ =	shalt  }
0x64: {  	_ =	shalt  }
0x65: {  	_ =	shalt  }
0x66: {  	_ =	shalt  }
0x67: {  	_ =	shalt  }
0x68: {  	_ =	shalt  }
0x69: {  	_ =	shalt  }
0x6a: {  	_ =	shalt  }
0x6b: {  	_ =	shalt  }
0x6c: {  	_ =	shalt  }
0x6d: {  	_ =	shalt  }
0x6e: {  	_ =	shalt  }
0x6f: {  	_ =	shalt  }
0x70: {  	_ =	shalt  }
0x71: {  	_ =	shalt  }
0x72: {  	_ =	shalt  }
0x73: {  	_ =	shalt  }
0x74: {  	_ =	shalt  }
0x75: {  	_ =	shalt  }
0x76: {  	_ =	shalt  }
0x77: {  	_ =	shalt  }
0x78: {  	_ =	shalt  }
0x79: {  	_ =	shalt  }
0x7a: {  	_ =	shalt  }
0x7b: {  	_ =	shalt  }
0x7c: {  	_ =	shalt  }
0x7d: {  	_ =	shalt  }
0x7e: {  	_ =	shalt  }
0x7f: {  	_ =	shalt  }
0x80: {  	_ =	shalt  }
0x81: {  	_ =	shalt  }
0x82: {  	_ =	shalt  }
0x83: {  	_ =	shalt  }
0x84: {  	_ =	shalt  }
0x85: {  	_ =	shalt  }
0x86: {  	_ =	shalt  }
0x87: {  	_ =	shalt  }
.Lfunc_end0:
.L_simem_size_0:
called_computation_lowered:
.L_overlay_start_0:
0x88: {  	s2 =	sld [smem:$0x3FD9]  }
0x89: {  	s3 =	sld [smem:$0x3FFE];
	_ =	sdelay $0x1  }
0x8a: {  	s1 =	srdreg.scid  }
0x8b: {  	s0 =	sand.u32 $0x1, s1  }
0x8c: {  	s14 =	sshll.u32 s0, $0xA;
	s2 =	sadd.s32 s3, s2  }
0x8d: {  	s2 =	sadd.s32 s2, s14  }
0x8e: {  	[smem:$0x3FC6] =	sst s2  }
0x8f: {  	_ = 	snop  }
0x90: {  	s2 =	sld [smem:$0x3FD0];
	_ =	sdelay $0x2  }
0x91: {  	s15 =	simm.s32 $0xA;
	s4 =	simm.s32 $0x10  }
0x92: {  	[smem:s4], [sflag:s15] =	dma.local [hbm:s2], $0x1  }
0x93: {  	_ =	swait.eq [sflag:s15], $0x1  }
0x94: {  	[sflag:s15] =	ssyncset.done $0x0  }
0x95: {  	[sflag:s15] =	ssyncadd.s32 $0xFFFFFFFF  }
0x96: {  	s16 =	sld [smem:$0x11];
	(tm) =	ssettm $0x1  }
0x97: {  	s17 =	sld [smem:$0x3FFB];
	_ =	sdelay $0x3  }
0x98: {  	_ =	strace s17  }
0x99: {  	s3 =	sld [smem:$0x3FFC];
	_ =	sdelay $0x3  }
0x9a: {  	_ =	strace s3  }
0x9b: {  	s3 =	sld [smem:$0x3FFD];
	_ =	sdelay $0x3  }
0x9c: {  	_ =	strace s3  }
0x9d: {  	_ =	strace $0x8FFFFFFF  }
0x9e: {  	s18 =	sld [smem:$0x3FDB];
	_ =	sdelay $0x1  }
0x9f: {  	s19 =	simm.s32 $_scs_section_size  }
0xa0: {  	s5 =	simm.s32 $_size__tile_overlayer_lowered;
	s6 =	simm.s32 $_tile_overlayer_lowered  }
0xa1: {  	s22 =	simm.s32 $0x1BFF;
	s21 =	sshll.u32 s6, $0x1;
	s3 =	sadd.s32 s19, s18  }
0xa2: {  	s7 =	simm.s32 $0x0;
	s20 =	sshll.u32 s5, $0x1;
	s5 =	sadd.s32 s21, s3  }
0xa3: {  	[timem:s7], [sflag:s22] =	dma.local [hbm:s5], s20  }
0xa4: {  	_ =	swait.ge [sflag:s22], s20  }
0xa5: {  	s4 =	ssub.s32 $0x0, s20;
	[sflag:s22] =	ssyncset.done $0x0  }
0xa6: {  	[sflag:s22] =	ssyncadd.s32 s4;
	_ =	sdelay $0x1  }
0xa7: {  	s23 =	simm.s32 $0x1B8B  }
0xa8: {  	_ =	swait.ge [sflag:s23], $0x1  }
0xa9: {  	[sflag:s23] =	ssyncset.done $0x0  }
0xaa: {  	s25 =	simm.s32 $0x1B8E;
	s24 =	sld [smem:$0x3FFE];
	[sflag:s23] =	ssyncadd.s32 $0xFFFFFFFF  }
0xab: {  	s26 =	simm.s32 $execute0_lowered;
	[smem:$0x3FD2] =	sst s25  }
0xac: {  	s5 =	sshll.u32 s26, $0x1;
	_ =	strace $0x80000046;
	[dreg:$0x1] =	wrdreg $0xFFFFFFFF  }
0xad: {  	s28 =	simm.s32 $_size_execute0_lowered;
	s3 =	sadd.s32 s3, s5;
	[dreg:$0x0] =	wrdreg $0x0  }
0xae: {  	s5 =	sshll.u32 s28, $0x1;
	[dreg:$0x2] =	wrdreg s3  }
0xaf: {  	[dreg:$0x3] =	wrdreg s5  }
0xb0: {  	[dreg:$0x4] =	wrdreg $0xC0  }
0xb1: {  	_ =	task [dreg:s7], $0x5FFFF  }
0xb2: {  	[dreg:$0x1] =	wrdreg $0xFFFFFFFF  }
0xb3: {  	[dreg:$0x0] =	wrdreg $0x60  }
0xb4: {  	[dreg:$0x2] =	wrdreg s24  }
0xb5: {  	[dreg:$0x3] =	wrdreg s16  }
0xb6: {  	[dreg:$0x4] =	wrdreg $0x9  }
0xb7: {  	_ =	task.clear_ibuf [dreg:s7], $0x5FFFF;
	_ =	strace $0x90000046  }
0xb8: {  	s29 =	simm.s32 $0x9;
	_ =	strace $0x80000048  }
0xb9: {  	_ =	swait.ge [sflag:s29], $0x1  }
0xba: {  	[sflag:s29] =	ssyncadd.s32 $0xFFFFFFFF  }
0xbb: {  	_ =	strace $0x90000048  }
0xbc: {  	_ =	sfence  }
0xbd: {  	s30 =	sld [smem:$0x0];
	_ =	sdelay $0x2  }
0xbe: {  	s31 =	sshll.u32 s1, $0xD;
	s1 =	sshrl.u32 s1, $0x2  }
0xbf: {  	s3 =	sand.u32 $0x4000, s31;
	s1 =	sadd.s32 s1, s30  }
0xc0: {  	s0 =	sor.u32 s3, s0;
	s1 =	sshll.u32 s1, $0x11  }
0xc1: {  	s0 =	sor.u32 s1, s0  }
0xc2: {  	s0 =	sadd.s32 $0x8F2B, s0  }
0xc3: {  	[sflag:s0] =	ssyncadd.remote.s32 $0x1  }
0xc4: {  	_ =	sfence.sel $0xFFFF  }
0xc5: {  	[dreg:$0x0] =	wrdreg $0xFFFFFFFF;
	(pc) =	sbr.abs _section_cstart, $3  }
0xc6: {  	[dreg:$0x1] =	wrdreg $0xFFFFFFFF  }
0xc7: {  	_ =	task.clear_ibuf [dreg:s7], $0x2FFFF;
	_ =	strace $0x9FFFFFFF  }
0xc8: {  	(tm) =	ssettm $0x7FFFFFFF  }
0xc9: {  	_ =	shalt  }
tec
execute0_lowered:
.L_overlay_start_1:
0x0: {  	(tag) =	ssettag $0x1  }
0x1: {  	s5 =	rddreg [dreg:$0x0]  }
0x2: {  	s1 =	rddreg [dreg:$0x1]  }
0x3: {  	s0 =	rddreg [dreg:$0x2];
	s3 =	simm.s32 $0x0;
	s4 =	srdreg.scid  }
0x4: {  	s2 =	stileid.u32;
	s11 =	simm.s32 $0x9100;
	s12 =	simm.s32 $0x5  }
0x5: {  	s13 =	simm.s32 $0x1;
	s14 =	simm.s32 $0x800;
	s15 =	simm.s32 $0x9000  }
0x6: {  	s16 =	simm.s32 $0x9080;
	s17 =	simm.s32 $0x1000;
	s18 =	simm.s32 $0x2  }
0x7: {  	s19 =	simm.s32 $0x5000;
	s20 =	simm.s32 $0x3;
	s21 =	simm.s32 $0x4  }
0x8: {  	s22 =	simm.s32 $0x0;
	[smem:$0x7FF] =	sst s3;
	s6 =	sand.u32 $0x1, s4  }
0x9: {  	v1 =	vlaneseq.u32;
	s7 =	sshll.u32 s2, $0xE;
	s4 =	sadd.s32 $0x600, s5;
	s8 =	sshll.u32 s6, $0xD  }
0xa: {  	s5 =	sadd.s32 $0x8600, s5;
	v0 =	vshrl.u32 v1, $0x3;
	s6 =	ssub.s32 $0x2, s6;
	s8 =	sor.u32 s8, s7  }
0xb: {  	v1 =	vand.u32 $0x7, v1;
	_ =	strace $0x80000047;
	v2 =	vor.u32 $0x2, v0;
	s31 =	sshrl.u32 s6, $0x1;
	s9 =	sshrl.u32 s8, $0x3  }
0xc: {  	v3 =	vor.u32 $0x4, v0;
	v4 =	vor.u32 $0x6, v0;
	v5 =	vor.u32 $0x8, v0;
	s10 =	ssub.s32 s6, s31;
	s7 =	sor.u32 $0x800, s8;
	s6 =	sadd.s32 s4, s9  }
0xd: {  	v6 =	vor.u32 $0xA, v0;
	v7 =	vor.u32 $0xC, v0;
	v8 =	vor.u32 $0xE, v0;
	s8 =	sadd.s32 s1, s8;
	s10 =	smax.u32 s10, $0x1;
	s9 =	sadd.s32 $0x200, s6  }
.LBB2_1:
0xe: {  	[tilespmem:s11], [sflag:$0x5] =	stream.linear.gather [hbm4b:s5+s3], $0x200, $0x38;
	[tilespmem:$0x9300] =	vst v63  }
0xf: {  	_ =	swait.ge [sflag:s12], $0x200  }
0x10: {  	[sflag:s12] =	ssyncset.done $0x0  }
0x11: {  	p1 =	por $0x1, $0x1;
	s24 =	simm.s32 $0x0;
	[sflag:s12] =	ssyncadd.s32 $0xFFFFFE00  }
0x12: {  	[tilespmem:s3], [sflag:$0x1] =	stream.linear.gather [hbm4b:s6+s3], $0x800, $0x38;
	[tilespmem:$0x9300] =	vst v63  }
.LBB2_2:
0x13: {  	_ =	swait.ge [sflag:s13], $0x800  }
0x14: {  	[sflag:s13] =	ssyncset.done $0x0  }
0x15: {  	s25 =	simm.s32 @!p1 $0x3;
	[sflag:s13] =	ssyncadd.s32 $0xFFFFF800  }
0x16: {  	s23 =	sor.u32 s7, s24;
	_ =	swait.ge @!p1 [sflag:s25], $0x4000  }
0x17: {  	s26 =	sshrl.u32 s23, $0x3;
	[sflag:s25] =	ssyncset.done @!p1 $0x0  }
0x18: {  	s26 =	sadd.s32 s4, s26;
	[sflag:s25] =	ssyncadd.s32 @!p1 $0xFFFFC000;
	s25 =	simm.s32 $0x0  }
0x19: {  	[tilespmem:s14], [sflag:$0x2] =	stream.linear.gather [hbm4b:s26+s25], $0x800, $0x38;
	[tilespmem:$0x9300] =	vst v63  }
0x1a: {  	p0 =	por p1, p1;
	s26 =	simm.s32 $0x1080  }
.LBB2_3:
0x1b: {  	s28 =	sshra.s32 s25, $0x2  }
0x1c: {  	v9 =	vld [tilespmem:s28+$0x0];
	_ =	sdelay $0x4  }
0x1d: {  	v9 =	vshll.u32 v9, $0x3  }
0x1e: {  	[tilespmem:$0x9000] =	vst v9  }
0x1f: {  	v9 =	vld [tilespmem:s28+$0x10];
	_ =	sdelay $0x4  }
0x20: {  	v9 =	vshll.u32 v9, $0x3  }
0x21: {  	[tilespmem:$0x9080] =	vst v9  }
0x22: {  	v9 =	vld.idx.msk [tilespmem:v0+s15+$0x0], $0xffff  }
0x23: {  	v10 =	vld.idx.msk [tilespmem:v0+s16+$0x0], $0xffff;
	_ =	sdelay $0x3  }
0x24: {  	v9 =	vadd.s32 v1, v9  }
0x25: {  	v10 =	vadd.s32 v1, v10;
	_ =	sdelay $0x3  }
0x26: {  	v9 =	vld.idx.msk [tilespmem:v9+s11+$0x0], $0xffff  }
0x27: {  	v10 =	vld.idx.msk [tilespmem:v10+s11+$0x0], $0xffff;
	_ =	sdelay $0x3  }
0x28: {  	[tilespmem:s26+$0xFFFFFF80] =	vst v9  }
0x29: {  	[tilespmem:s26+$0x0] =	vst v10  }
0x2a: {  	v9 =	vld.idx.msk [tilespmem:v2+s15+$0x0], $0xffff  }
0x2b: {  	v10 =	vld.idx.msk [tilespmem:v2+s16+$0x0], $0xffff;
	_ =	sdelay $0x3  }
0x2c: {  	v9 =	vadd.s32 v1, v9  }
0x2d: {  	v10 =	vadd.s32 v1, v10;
	_ =	sdelay $0x3  }
0x2e: {  	v9 =	vld.idx.msk [tilespmem:v9+s11+$0x0], $0xffff  }
0x2f: {  	v10 =	vld.idx.msk [tilespmem:v10+s11+$0x0], $0xffff;
	_ =	sdelay $0x3  }
0x30: {  	[tilespmem:s26+$0xFFFFFF90] =	vst v9  }
0x31: {  	[tilespmem:s26+$0x10] =	vst v10  }
0x32: {  	v9 =	vld.idx.msk [tilespmem:v3+s15+$0x0], $0xffff  }
0x33: {  	v10 =	vld.idx.msk [tilespmem:v3+s16+$0x0], $0xffff;
	_ =	sdelay $0x3  }
0x34: {  	v9 =	vadd.s32 v1, v9  }
0x35: {  	v10 =	vadd.s32 v1, v10;
	_ =	sdelay $0x3  }
0x36: {  	v9 =	vld.idx.msk [tilespmem:v9+s11+$0x0], $0xffff  }
0x37: {  	v10 =	vld.idx.msk [tilespmem:v10+s11+$0x0], $0xffff;
	_ =	sdelay $0x3  }
0x38: {  	[tilespmem:s26+$0xFFFFFFA0] =	vst v9  }
0x39: {  	[tilespmem:s26+$0x20] =	vst v10  }
0x3a: {  	v9 =	vld.idx.msk [tilespmem:v4+s15+$0x0], $0xffff  }
0x3b: {  	v10 =	vld.idx.msk [tilespmem:v4+s16+$0x0], $0xffff;
	_ =	sdelay $0x3  }
0x3c: {  	v9 =	vadd.s32 v1, v9  }
0x3d: {  	v10 =	vadd.s32 v1, v10;
	_ =	sdelay $0x3  }
0x3e: {  	v9 =	vld.idx.msk [tilespmem:v9+s11+$0x0], $0xffff  }
0x3f: {  	v10 =	vld.idx.msk [tilespmem:v10+s11+$0x0], $0xffff;
	_ =	sdelay $0x3  }
0x40: {  	[tilespmem:s26+$0xFFFFFFB0] =	vst v9  }
0x41: {  	[tilespmem:s26+$0x30] =	vst v10  }
0x42: {  	v9 =	vld.idx.msk [tilespmem:v5+s15+$0x0], $0xffff  }
0x43: {  	v10 =	vld.idx.msk [tilespmem:v5+s16+$0x0], $0xffff;
	_ =	sdelay $0x3  }
0x44: {  	v9 =	vadd.s32 v1, v9  }
0x45: {  	v10 =	vadd.s32 v1, v10;
	_ =	sdelay $0x3  }
0x46: {  	v9 =	vld.idx.msk [tilespmem:v9+s11+$0x0], $0xffff  }
0x47: {  	v10 =	vld.idx.msk [tilespmem:v10+s11+$0x0], $0xffff;
	_ =	sdelay $0x3  }
0x48: {  	[tilespmem:s26+$0xFFFFFFC0] =	vst v9  }
0x49: {  	[tilespmem:s26+$0x40] =	vst v10  }
0x4a: {  	v9 =	vld.idx.msk [tilespmem:v6+s15+$0x0], $0xffff  }
0x4b: {  	v10 =	vld.idx.msk [tilespmem:v6+s16+$0x0], $0xffff;
	_ =	sdelay $0x3  }
0x4c: {  	v9 =	vadd.s32 v1, v9  }
0x4d: {  	v10 =	vadd.s32 v1, v10;
	_ =	sdelay $0x3  }
0x4e: {  	v9 =	vld.idx.msk [tilespmem:v9+s11+$0x0], $0xffff  }
0x4f: {  	v10 =	vld.idx.msk [tilespmem:v10+s11+$0x0], $0xffff;
	_ =	sdelay $0x3  }
0x50: {  	[tilespmem:s26+$0xFFFFFFD0] =	vst v9  }
0x51: {  	[tilespmem:s26+$0x50] =	vst v10  }
0x52: {  	v9 =	vld.idx.msk [tilespmem:v7+s15+$0x0], $0xffff  }
0x53: {  	v10 =	vld.idx.msk [tilespmem:v7+s16+$0x0], $0xffff;
	_ =	sdelay $0x3  }
0x54: {  	v9 =	vadd.s32 v1, v9  }
0x55: {  	v10 =	vadd.s32 v1, v10;
	_ =	sdelay $0x3  }
0x56: {  	v9 =	vld.idx.msk [tilespmem:v9+s11+$0x0], $0xffff  }
0x57: {  	v10 =	vld.idx.msk [tilespmem:v10+s11+$0x0], $0xffff;
	_ =	sdelay $0x3  }
0x58: {  	[tilespmem:s26+$0xFFFFFFE0] =	vst v9  }
0x59: {  	[tilespmem:s26+$0x60] =	vst v10  }
0x5a: {  	v9 =	vld.idx.msk [tilespmem:v8+s15+$0x0], $0xffff  }
0x5b: {  	v10 =	vld.idx.msk [tilespmem:v8+s16+$0x0], $0xffff;
	_ =	sdelay $0x3  }
0x5c: {  	v9 =	vadd.s32 v1, v9  }
0x5d: {  	v10 =	vadd.s32 v1, v10;
	_ =	sdelay $0x3  }
0x5e: {  	v9 =	vld.idx.msk [tilespmem:v9+s11+$0x0], $0xffff  }
0x5f: {  	p1 =	sne.s32 s25, $0x1F80;
	v10 =	vld.idx.msk [tilespmem:v10+s11+$0x0], $0xffff  }
.Ltmp0:
0x60: {  	_ = 	snop;
	(pc) =	sbr.rel @p1 .LBB2_3-.Ltmp0, $3  }
0x61: {  	_ =	sdelay $0x1  }
0x62: {  	[tilespmem:s26+$0xFFFFFFF0] =	vst v9  }
0x63: {  	s25 =	sadd.s32 $0x80, s25;
	[tilespmem:s26+$0x70] =	vst v10;
	s26 =	sadd.s32 $0x100, s26  }
0x64: {  	s24 =	sadd.s32 s24, s8  }
0x65: {  	[hbm4b:s24+s3] =	stream.linear.scatter [tilespmem:s17], [sflag:$0x3], $0x4000, $0x38;
	[tilespmem:$0x9300] =	vst v63  }
0x66: {  	_ =	swait.ge [sflag:s18], $0x800  }
0x67: {  	[sflag:s18] =	ssyncset.done $0x0  }
0x68: {  	s24 =	simm.s32 @p0 $0x0;
	[sflag:s18] =	ssyncadd.s32 $0xFFFFF800  }
0x69: {  	[tilespmem:s24], [sflag:$0x1] =	stream.linear.gather @p0 [hbm4b:s9+s24], $0x800, $0x38;
	[tilespmem:$0x9300] =	vst v63  }
0x6a: {  	s24 =	simm.s32 @!p0 $0x4  }
0x6b: {  	_ =	swait.ge @!p0 [sflag:s24], $0x4000  }
0x6c: {  	[sflag:s24] =	ssyncset.done @!p0 $0x0  }
0x6d: {  	s25 =	simm.s32 $0x5080;
	[sflag:s24] =	ssyncadd.s32 @!p0 $0xFFFFC000;
	s24 =	simm.s32 $0x0  }
.LBB2_5:
0x6e: {  	s26 =	sshra.s32 s24, $0x2  }
0x6f: {  	v9 =	vld [tilespmem:s26+$0x800];
	_ =	sdelay $0x4  }
0x70: {  	v9 =	vshll.u32 v9, $0x3  }
0x71: {  	[tilespmem:$0x9000] =	vst v9  }
0x72: {  	v9 =	vld [tilespmem:s26+$0x810];
	_ =	sdelay $0x4  }
0x73: {  	v9 =	vshll.u32 v9, $0x3  }
0x74: {  	[tilespmem:$0x9080] =	vst v9  }
0x75: {  	v9 =	vld.idx.msk [tilespmem:v0+s15+$0x0], $0xffff  }
0x76: {  	v10 =	vld.idx.msk [tilespmem:v0+s16+$0x0], $0xffff;
	_ =	sdelay $0x3  }
0x77: {  	v9 =	vadd.s32 v1, v9  }
0x78: {  	v10 =	vadd.s32 v1, v10;
	_ =	sdelay $0x3  }
0x79: {  	v9 =	vld.idx.msk [tilespmem:v9+s11+$0x0], $0xffff  }
0x7a: {  	v10 =	vld.idx.msk [tilespmem:v10+s11+$0x0], $0xffff;
	_ =	sdelay $0x3  }
0x7b: {  	[tilespmem:s25+$0xFFFFFF80] =	vst v9  }
0x7c: {  	[tilespmem:s25+$0x0] =	vst v10  }
0x7d: {  	v9 =	vld.idx.msk [tilespmem:v2+s15+$0x0], $0xffff  }
0x7e: {  	v10 =	vld.idx.msk [tilespmem:v2+s16+$0x0], $0xffff;
	_ =	sdelay $0x3  }
0x7f: {  	v9 =	vadd.s32 v1, v9  }
0x80: {  	v10 =	vadd.s32 v1, v10;
	_ =	sdelay $0x3  }
0x81: {  	v9 =	vld.idx.msk [tilespmem:v9+s11+$0x0], $0xffff  }
0x82: {  	v10 =	vld.idx.msk [tilespmem:v10+s11+$0x0], $0xffff;
	_ =	sdelay $0x3  }
0x83: {  	[tilespmem:s25+$0xFFFFFF90] =	vst v9  }
0x84: {  	[tilespmem:s25+$0x10] =	vst v10  }
0x85: {  	v9 =	vld.idx.msk [tilespmem:v3+s15+$0x0], $0xffff  }
0x86: {  	v10 =	vld.idx.msk [tilespmem:v3+s16+$0x0], $0xffff;
	_ =	sdelay $0x3  }
0x87: {  	v9 =	vadd.s32 v1, v9  }
0x88: {  	v10 =	vadd.s32 v1, v10;
	_ =	sdelay $0x3  }
0x89: {  	v9 =	vld.idx.msk [tilespmem:v9+s11+$0x0], $0xffff  }
0x8a: {  	v10 =	vld.idx.msk [tilespmem:v10+s11+$0x0], $0xffff;
	_ =	sdelay $0x3  }
0x8b: {  	[tilespmem:s25+$0xFFFFFFA0] =	vst v9  }
0x8c: {  	[tilespmem:s25+$0x20] =	vst v10  }
0x8d: {  	v9 =	vld.idx.msk [tilespmem:v4+s15+$0x0], $0xffff  }
0x8e: {  	v10 =	vld.idx.msk [tilespmem:v4+s16+$0x0], $0xffff;
	_ =	sdelay $0x3  }
0x8f: {  	v9 =	vadd.s32 v1, v9  }
0x90: {  	v10 =	vadd.s32 v1, v10;
	_ =	sdelay $0x3  }
0x91: {  	v9 =	vld.idx.msk [tilespmem:v9+s11+$0x0], $0xffff  }
0x92: {  	v10 =	vld.idx.msk [tilespmem:v10+s11+$0x0], $0xffff;
	_ =	sdelay $0x3  }
0x93: {  	[tilespmem:s25+$0xFFFFFFB0] =	vst v9  }
0x94: {  	[tilespmem:s25+$0x30] =	vst v10  }
0x95: {  	v9 =	vld.idx.msk [tilespmem:v5+s15+$0x0], $0xffff  }
0x96: {  	v10 =	vld.idx.msk [tilespmem:v5+s16+$0x0], $0xffff;
	_ =	sdelay $0x3  }
0x97: {  	v9 =	vadd.s32 v1, v9  }
0x98: {  	v10 =	vadd.s32 v1, v10;
	_ =	sdelay $0x3  }
0x99: {  	v9 =	vld.idx.msk [tilespmem:v9+s11+$0x0], $0xffff  }
0x9a: {  	v10 =	vld.idx.msk [tilespmem:v10+s11+$0x0], $0xffff;
	_ =	sdelay $0x3  }
0x9b: {  	[tilespmem:s25+$0xFFFFFFC0] =	vst v9  }
0x9c: {  	[tilespmem:s25+$0x40] =	vst v10  }
0x9d: {  	v9 =	vld.idx.msk [tilespmem:v6+s15+$0x0], $0xffff  }
0x9e: {  	v10 =	vld.idx.msk [tilespmem:v6+s16+$0x0], $0xffff;
	_ =	sdelay $0x3  }
0x9f: {  	v9 =	vadd.s32 v1, v9  }
0xa0: {  	v10 =	vadd.s32 v1, v10;
	_ =	sdelay $0x3  }
0xa1: {  	v9 =	vld.idx.msk [tilespmem:v9+s11+$0x0], $0xffff  }
0xa2: {  	v10 =	vld.idx.msk [tilespmem:v10+s11+$0x0], $0xffff;
	_ =	sdelay $0x3  }
0xa3: {  	[tilespmem:s25+$0xFFFFFFD0] =	vst v9  }
0xa4: {  	[tilespmem:s25+$0x50] =	vst v10  }
0xa5: {  	v9 =	vld.idx.msk [tilespmem:v7+s15+$0x0], $0xffff  }
0xa6: {  	v10 =	vld.idx.msk [tilespmem:v7+s16+$0x0], $0xffff;
	_ =	sdelay $0x3  }
0xa7: {  	v9 =	vadd.s32 v1, v9  }
0xa8: {  	v10 =	vadd.s32 v1, v10;
	_ =	sdelay $0x3  }
0xa9: {  	v9 =	vld.idx.msk [tilespmem:v9+s11+$0x0], $0xffff  }
0xaa: {  	v10 =	vld.idx.msk [tilespmem:v10+s11+$0x0], $0xffff;
	_ =	sdelay $0x3  }
0xab: {  	[tilespmem:s25+$0xFFFFFFE0] =	vst v9  }
0xac: {  	[tilespmem:s25+$0x60] =	vst v10  }
0xad: {  	v9 =	vld.idx.msk [tilespmem:v8+s15+$0x0], $0xffff  }
0xae: {  	v10 =	vld.idx.msk [tilespmem:v8+s16+$0x0], $0xffff;
	_ =	sdelay $0x3  }
0xaf: {  	v9 =	vadd.s32 v1, v9  }
0xb0: {  	v10 =	vadd.s32 v1, v10;
	_ =	sdelay $0x3  }
0xb1: {  	v9 =	vld.idx.msk [tilespmem:v9+s11+$0x0], $0xffff  }
0xb2: {  	p1 =	sne.s32 s24, $0x1F80;
	v10 =	vld.idx.msk [tilespmem:v10+s11+$0x0], $0xffff  }
.Ltmp1:
0xb3: {  	_ = 	snop;
	(pc) =	sbr.rel @p1 .LBB2_5-.Ltmp1, $3  }
0xb4: {  	_ =	sdelay $0x1  }
0xb5: {  	[tilespmem:s25+$0xFFFFFFF0] =	vst v9  }
0xb6: {  	s24 =	sadd.s32 $0x80, s24;
	[tilespmem:s25+$0x70] =	vst v10;
	s25 =	sadd.s32 $0x100, s25  }
.Ltmp2:
0xb7: {  	(pc) =	sbr.rel @p0 .LBB2_2-.Ltmp2, $3  }
0xb8: {  	_ =	sdelay $0x1  }
0xb9: {  	s23 =	sadd.s32 s1, s23;
	s24 =	simm.s32 $0x1000;
	p1 =	por $0x0, $0x0  }
0xba: {  	[hbm4b:s23+s3] =	stream.linear.scatter [tilespmem:s19], [sflag:$0x4], $0x4000, $0x38;
	[tilespmem:$0x9300] =	vst v63  }
0xbb: {  	s22 =	sadd.s32 $0x1, s22  }
0xbc: {  	_ =	swait.ge [sflag:s20], $0x4000;
	p0 =	sne.s32 s22, s10  }
.Ltmp3:
0xbd: {  	[sflag:s20] =	ssyncset.done $0x0;
	(pc) =	sbr.rel @p0 .LBB2_1-.Ltmp3, $4  }
0xbe: {  	[sflag:s20] =	ssyncadd.s32 $0xFFFFC000  }
0xbf: {  	_ =	swait.ge [sflag:s21], $0x4000  }
0xc0: {  	[sflag:s21] =	ssyncset.done $0x0  }
0xc1: {  	[sflag:s21] =	ssyncadd.s32 $0xFFFFC000  }
0xc2: {  	_ =	sfence.sel $0x180000  }
0xc3: {  	[bflag:$0x0] =	sbarrier.arrive $0xFFFF  }
0xc4: {  	p0 =	sne.s32 s2, $0x0;
	_ =	strace $0x90000047  }
0xc5: {  	s0 =	sadd.s32 @!p0 $0x100000, s0;
	[bflag:$0x2] =	sbarrier.arrive $0xFFFF  }
0xc6: {  	[sflag:s0] =	ssyncadd.tile.s32 @!p0 $0x1;
	_ =	shalt  }
.Lfunc_end2:
_tile_overlayer_lowered:
.L_overlay_start_2:
0xc7: {  	(tag) =	ssettag $0x2  }
0xc8: {  	s0 =	rddreg [dreg:$0x0];
	s2 =	stileid.u32  }
0xc9: {  	s1 =	rddreg [dreg:$0x1];
	p0 =	sne.s32 s2, $0x0  }
0xca: {  	s3 =	rddreg [dreg:$0x2];
	[bflag:$0x3] =	sbarrier.arrive $0xFFFF;
	s2 =	simm.s32 @!p0 $0x1C05  }
0xcb: {  	[timem:s3], [sflag:s2] =	dma.local @!p0 [hbm:s0], s1  }
0xcc: {  	s0 =	simm.s32 @!p0 $0x5  }
0xcd: {  	_ =	swait.ge @!p0 [sflag:s0], s1  }
0xce: {  	s1 =	ssub.s32 @!p0 $0x0, s1;
	[sflag:s0] =	ssyncset.done @!p0 $0x0  }
0xcf: {  	[sflag:s0] =	ssyncadd.s32 @!p0 s1  }
0xd0: {  	[bflag:$0x3] =	sbarrier.arrive $0xFFFF  }
0xd1: {  	_ =	shalt  }

</sc_bundles>
